<compile_context>
chip_gen: v7x
topology: tpu7x:2x2x1
jax: 0.10.2.dev20260603
libtpu: 0.0.44.dev20260713+nightly
codegen_flags: <defaults>
</compile_context>

<pallas_src>
import functools

import jax
import jax.numpy as jnp
from jax import lax
from jax.experimental import pallas as pl
from jax.experimental.pallas import tpu as pltpu
from jax.experimental.pallas import tpu_sc as plsc

_C = 1000
_D = 256
_M = 4
_MOM = 0.9
_B = 16384
_CP = 1024
_NSEGP = _M * _CP
_H = _D // 128

_NC = 2
_NS = 16
_L = 16
_NW = _NC * _NS
_RPT2 = _B // _NS
_CHUNK2 = 128
_NCHUNK2 = _RPT2 // _CHUNK2


def _sc_body(feats_hbm, labels_hbm, domains_hbm, out_sums, out_cnts,
             zbuf, buf0, buf1, buf2, buf3, gidx, seg2d, lab_v, dom_v, cnt_v,
             acc_sh, gs0, gs1, gs2, gs3, ss0, ss1, ss2, ss3):
    cid = lax.axis_index("c")
    sid = lax.axis_index("s")
    rbase = sid * _RPT2

    iota = lax.broadcasted_iota(jnp.int32, (_L,), 0)

    def _gidx_row(q, carry):
        rv = rbase + q * _L + iota
        gidx[q // (_CHUNK2 // _L), pl.ds((q % (_CHUNK2 // _L)) * _L, _L)] = (
            ((rv >> 3) << 4) + 8 * cid + (rv & 7))
        return carry

    lax.fori_loop(0, _RPT2 // _L, _gidx_row, 0)

    pltpu.sync_copy(labels_hbm.at[pl.ds(rbase, _RPT2)], lab_v)
    pltpu.sync_copy(domains_hbm.at[pl.ds(rbase, _RPT2)], dom_v)

    zrow = jnp.zeros((_L,), jnp.float32)

    def _fill_row(i, carry):
        for k in range(128 // _L):
            zbuf[i, pl.ds(k * _L, _L)] = zrow
        cnt_v[pl.ds(i * _L, _L)] = zrow
        cnt_v[pl.ds((i + 128) * _L, _L)] = zrow
        return carry

    lax.fori_loop(0, _CHUNK2, _fill_row, 0)

    bufs = [buf0, buf1, buf2, buf3]
    gsems = [gs0, gs1, gs2, gs3]
    ssems = [ss0, ss1, ss2, ss3]
    gd = [pltpu.async_copy(feats_hbm.at[gidx.at[k]], bufs[k], gsems[k])
          for k in range(4)]
    gd += [None] * (_NCHUNK2 - 4)
    sd = [None] * _NCHUNK2

    r0 = sid * (_NSEGP // _NS)
    pltpu.sync_copy(zbuf, acc_sh.at[pl.ds(r0, _CHUNK2)])
    pltpu.sync_copy(zbuf, acc_sh.at[pl.ds(r0 + _CHUNK2, _CHUNK2)])

    onesv = zrow + 1.0
    half_groups = _RPT2 // _L // 2
    cbase = cid * half_groups

    def _seg_row(i, carry):
        seg = dom_v[pl.ds(i * _L, _L)] * _CP + lab_v[pl.ds(i * _L, _L)]
        seg2d[i // 8, pl.ds((i % 8) * _L, _L)] = seg
        return carry

    lax.fori_loop(0, _RPT2 // _L, _seg_row, 0)

    def _cnt_row(i, carry):
        seg = (dom_v[pl.ds((cbase + i) * _L, _L)] * _CP
               + lab_v[pl.ds((cbase + i) * _L, _L)])
        plsc.addupdate_scatter(cnt_v, [seg], onesv)
        return carry

    lax.fori_loop(0, half_groups, _cnt_row, 0)

    plsc.subcore_barrier()

    for k in range(_NCHUNK2):
        nk = k + 1
        if nk < _NCHUNK2 and nk >= 4:
            sd[nk - 4].wait()
            gd[nk] = pltpu.async_copy(
                feats_hbm.at[gidx.at[nk]], bufs[nk % 4], gsems[nk % 4])
        gd[k].wait()
        sd[k] = pltpu.async_copy(bufs[k % 4], acc_sh.at[seg2d.at[k]],
                                 ssems[k % 4], add=True)
    for k in range(_NCHUNK2 - 3, _NCHUNK2):
        sd[k].wait()

    plsc.subcore_barrier()

    pltpu.sync_copy(acc_sh.at[pl.ds(r0, _NSEGP // _NS)],
                    out_sums.at[cid, pl.ds(r0, _NSEGP // _NS)])
    pltpu.sync_copy(cnt_v, out_cnts.at[sid * _NC + cid])


@functools.cache
def _get_sc_segsum():
    return pl.kernel(
        _sc_body,
        out_type=(
            jax.ShapeDtypeStruct((_H, _NSEGP, 128), jnp.float32),
            jax.ShapeDtypeStruct((_NW, _NSEGP), jnp.float32),
        ),
        mesh=plsc.VectorSubcoreMesh(core_axis_name="c", subcore_axis_name="s"),
        compiler_params=pltpu.CompilerParams(use_tc_tiling_on_sc=False,
                                             needs_layout_passes=False),
        scratch_types=[
            pltpu.VMEM((_CHUNK2, 128), jnp.float32),
            pltpu.VMEM((_CHUNK2, 128), jnp.float32),
            pltpu.VMEM((_CHUNK2, 128), jnp.float32),
            pltpu.VMEM((_CHUNK2, 128), jnp.float32),
            pltpu.VMEM((_CHUNK2, 128), jnp.float32),
            pltpu.VMEM((_NCHUNK2, 128), jnp.int32),
            pltpu.VMEM((_NCHUNK2, 128), jnp.int32),
            pltpu.VMEM((_RPT2,), jnp.int32),
            pltpu.VMEM((_RPT2,), jnp.int32),
            pltpu.VMEM((_NSEGP,), jnp.float32),
            pltpu.VMEM_SHARED((_NSEGP, 128), jnp.float32),
            pltpu.SemaphoreType.DMA,
            pltpu.SemaphoreType.DMA,
            pltpu.SemaphoreType.DMA,
            pltpu.SemaphoreType.DMA,
            pltpu.SemaphoreType.DMA,
            pltpu.SemaphoreType.DMA,
            pltpu.SemaphoreType.DMA,
            pltpu.SemaphoreType.DMA,
        ],
    )


_BLK = 4096


def _mm_body(dom_ref, x_ref, t_ref):
    i = pl.program_id(0)

    @pl.when(i == 0)
    def _init():
        t_ref[...] = jnp.zeros_like(t_ref)

    x = x_ref[...].astype(jnp.bfloat16)
    dom = dom_ref[...].astype(jnp.int32)
    xs1 = jnp.where((dom & 1) == 1, x, -x)
    xs2 = jnp.where((dom & 2) == 2, x, -x)
    dn = (((0,), (0,)), ((), ()))
    t_ref[0] += lax.dot_general(x, x, dn, preferred_element_type=jnp.float32)
    t_ref[1] += lax.dot_general(x, xs1, dn, preferred_element_type=jnp.float32)
    t_ref[2] += lax.dot_general(x, xs2, dn, preferred_element_type=jnp.float32)
    t_ref[3] += lax.dot_general(xs1, xs2, dn, preferred_element_type=jnp.float32)


def _tc_moments(domain2d, feats):
    return pl.pallas_call(
        _mm_body,
        grid=(_B // _BLK,),
        in_specs=[
            pl.BlockSpec((_BLK, 1), lambda i: (i, 0)),
            pl.BlockSpec((_BLK, _D), lambda i: (i, 0)),
        ],
        out_specs=pl.BlockSpec((_M, _D, _D), lambda i: (0, 0, 0)),
        out_shape=jax.ShapeDtypeStruct((_M, _D, _D), jnp.float32),
        compiler_params=pltpu.CompilerParams(dimension_semantics=("arbitrary",)),
    )(domain2d, feats)


def _outer(v):
    return lax.dot_general(v, v, (((0,), (0,)), ((), ())),
                           preferred_element_type=jnp.float32)


def _ep_body(sums_ref, cnts_ref, t_ref, out_ref):
    sums = jnp.concatenate([sums_ref[0], sums_ref[1]],
                           axis=-1).reshape(_M, _CP, _D)
    cnts = (cnts_ref[...].reshape(_NW, _NSEGP // 128, 128).sum(axis=0)
            .reshape(_M, _CP // 128, 128).reshape(_M, _CP))

    csafe = jnp.maximum(cnts, 1.0)
    mu = sums / csafe[:, :, None]
    presf = (cnts > 0.0).astype(jnp.float32)

    anchors = (1.0 - _MOM) * mu * presf[:, :, None]
    ag = jnp.zeros((_CP, _D), jnp.float32)
    for d in range(_M):
        upd = _MOM * ag + (1.0 - _MOM) * mu[d]
        pd = presf[d][:, None]
        ag = pd * upd + (1.0 - pd) * ag
    per = jnp.sum((anchors - ag[None]) ** 2, axis=-1) / _D
    nvalid = jnp.sum(presf)
    caa = jnp.where(nvalid > 0,
                    jnp.sum(per * presf) / jnp.maximum(nvalid, 1.0),
                    0.0)

    t = t_ref[...]
    s2 = [(t[0] + sg1 * t[1] + sg2 * t[2] + sg1 * sg2 * t[3]) * 0.25
          for d in range(_M)
          for sg1, sg2 in [(2 * (d & 1) - 1, 2 * (d >> 1) - 1)]]
    s2_tot = t[0]

    tot = jnp.sum(sums, axis=(0, 1)).reshape(1, _D)
    mu_g = tot / _B
    cov = (s2_tot - _B * _outer(mu_g)) / (_B + 1e-6)
    rows = lax.broadcasted_iota(jnp.int32, (_D, _D), 0)
    cols = lax.broadcasted_iota(jnp.int32, (_D, _D), 1)
    eye = (rows == cols).astype(jnp.float32)
    g_mean = (1.0 - _MOM) * mu_g
    g_cov = _MOM * eye + (1.0 - _MOM) * cov

    loss = jnp.float32(0.0)
    nval = jnp.float32(0.0)
    for d in range(_M):
        cnt = jnp.sum(cnts[d])
        s_row = jnp.sum(sums[d], axis=0).reshape(1, _D)
        mu_d = s_row / jnp.maximum(cnt, 1.0)
        cov_d = (s2[d] - cnt * _outer(mu_d)) / (cnt + 1e-6)
        l_d = jnp.mean((mu_d - g_mean) ** 2) + jnp.mean((cov_d - g_cov) ** 2)
        has = (cnt > 0).astype(jnp.float32)
        loss = loss + has * l_d
        nval = nval + has
    stats = jnp.where(nval > 0, loss / jnp.maximum(nval, 1.0), 0.0)

    out_ref[...] = jnp.full((1, 1), caa + stats, jnp.float32)


def _tc_epilogue(sums_p, cnts_p, s2):
    return pl.pallas_call(
        _ep_body,
        out_shape=jax.ShapeDtypeStruct((1, 1), jnp.float32),
    )(sums_p, cnts_p, s2)


def kernel(feats, labels, domain_ids):
    s2 = _tc_moments(domain_ids.astype(jnp.int8).reshape(_B, 1), feats)
    feats_t = (feats.reshape(_B // 8, 8, _H, 128)
               .transpose(0, 2, 1, 3).reshape(_B * _H, 128))
    sums_p, cnts_p = _get_sc_segsum()(feats_t, labels, domain_ids)
    loss = _tc_epilogue(sums_p,
                        cnts_p.reshape(_NW * _NSEGP // 128, 128),
                        s2)
    return loss.reshape(())

# --- scband reference (transcript-rebuilt; emitter-appended) ---
"""Pipeline reference for scband-anchor-bank-caa-25194278159055 (READ-ONLY COPY).

The authoritative reference and input builder live on the scoring server;
editing this copy changes nothing except your own understanding.
"""

import jax, jax.numpy as jnp
import numpy as np

C = 1000
D = 256
M = 4
MOM = 0.9
B = 16384


def setup_inputs(seed: int = 0):
    key = jax.random.key(seed)
    k1, k2, k3 = jax.random.split(key, 3)
    feats = jax.random.normal(k1, (B, D), dtype=jnp.float32)
    labels = jax.random.randint(k2, (B,), 0, C, dtype=jnp.int32)
    domain_ids = jax.random.randint(k3, (B,), 0, M, dtype=jnp.int32)
    return {"feats": feats, "labels": labels, "domain_ids": domain_ids}


def _forward(feats, labels, domain_ids):
    n = feats.shape[0]
    # ---- update() (buffers start at zero-init / identity as in __init__) ----
    seg = domain_ids * C + labels
    ones = jnp.ones((n,), dtype=feats.dtype)
    sums = jax.ops.segment_sum(feats, seg, num_segments=M * C)
    cnts = jax.ops.segment_sum(ones, seg, num_segments=M * C)
    mu_dc = sums / jnp.maximum(cnts, 1.0)[:, None]
    mu_dc = mu_dc.reshape(M, C, D)
    present = (cnts > 0).reshape(M, C)
    cnts_dc = cnts.reshape(M, C)

    # EMA from zero-initialized anchors: m*0 + (1-m)*mu for present (d,c)
    anchors_dc = jnp.where(present[:, :, None], (1.0 - MOM) * mu_dc, 0.0)
    counts_dc = cnts_dc

    # anchor_global updated sequentially over domains d = 0..M-1 (as in torch loop)
    anchor_global = jnp.zeros((C, D), dtype=feats.dtype)
    for d in range(M):
        upd = MOM * anchor_global + (1.0 - MOM) * mu_dc[d]
        anchor_global = jnp.where(present[d][:, None], upd, anchor_global)
    counts_global = cnts_dc.sum(axis=0)

    # stats buffers (EMA from zeros / identity)
    mu = feats.mean(axis=0)
    xc = feats - mu
    cov = xc.T @ xc / (n + 1e-06)
    global_mean = (1.0 - MOM) * mu
    global_cov = MOM * jnp.eye(D, dtype=feats.dtype) + (1.0 - MOM) * cov

    # ---- caa_loss() ----
    valid = present & (counts_global > 0)[None, :]
    validf = valid.astype(feats.dtype)
    diff = anchors_dc - anchor_global[None, :, :]
    per = (diff ** 2).mean(axis=-1)
    nvalid = validf.sum()
    caa = jnp.where(nvalid > 0, (per * validf).sum() / jnp.maximum(nvalid, 1.0), 0.0)

    # ---- stats_align_loss() ----
    loss = jnp.asarray(0.0, dtype=feats.dtype)
    nval = jnp.asarray(0.0, dtype=feats.dtype)
    for d in range(M):
        mask = (domain_ids == d).astype(feats.dtype)
        cnt = mask.sum()
        mu_d = (feats * mask[:, None]).sum(axis=0) / jnp.maximum(cnt, 1.0)
        xcd = (feats - mu_d) * mask[:, None]
        cov_d = xcd.T @ xcd / (cnt + 1e-06)
        l_d = ((mu_d - global_mean) ** 2).mean() + ((cov_d - global_cov) ** 2).mean()
        has = (cnt > 0).astype(feats.dtype)
        loss = loss + has * l_d
        nval = nval + has
    stats = jnp.where(nval > 0, loss / jnp.maximum(nval, 1.0), 0.0)

    return caa + stats


def reference(feats, labels, domain_ids):
    return _forward(feats, labels, domain_ids)

if __name__ == "__main__":
    import jax
    _d = setup_inputs()
    print(jax.jit(kernel)(*tuple(_d.values())))

</pallas_src>

<mosaic_0001>
#map = affine_map<(d0, d1) -> (0, 0)>
#map1 = affine_map<(d0, d1) -> (0)>
#map2 = affine_map<(d0, d1) -> (0, 0, 0)>
module attributes {stable_mosaic.version = 14 : i64} {
  func.func @_sc_body(%arg0: i32, %arg1: i32, %arg2: memref<32768x128xf32, #tpu.memory_space<hbm>>, %arg3: memref<16384xi32, #tpu.memory_space<hbm>>, %arg4: memref<16384xi32, #tpu.memory_space<hbm>>, %arg5: memref<2x4096x128xf32, #tpu.memory_space<hbm>>, %arg6: memref<32x4096xf32, #tpu.memory_space<hbm>>, %arg7: memref<128x128xf32, #tpu.memory_space<vmem>>, %arg8: memref<128x128xf32, #tpu.memory_space<vmem>>, %arg9: memref<128x128xf32, #tpu.memory_space<vmem>>, %arg10: memref<128x128xf32, #tpu.memory_space<vmem>>, %arg11: memref<128x128xf32, #tpu.memory_space<vmem>>, %arg12: memref<8x128xi32, #tpu.memory_space<vmem>>, %arg13: memref<8x128xi32, #tpu.memory_space<vmem>>, %arg14: memref<1024xi32, #tpu.memory_space<vmem>>, %arg15: memref<1024xi32, #tpu.memory_space<vmem>>, %arg16: memref<4096xf32, #tpu.memory_space<vmem>>, %arg17: memref<4096x128xf32, #tpu.memory_space<vmem_shared>>, %arg18: memref<!tpu.dma_semaphore, #tpu.memory_space<semaphore_mem>>, %arg19: memref<!tpu.dma_semaphore, #tpu.memory_space<semaphore_mem>>, %arg20: memref<!tpu.dma_semaphore, #tpu.memory_space<semaphore_mem>>, %arg21: memref<!tpu.dma_semaphore, #tpu.memory_space<semaphore_mem>>, %arg22: memref<!tpu.dma_semaphore, #tpu.memory_space<semaphore_mem>>, %arg23: memref<!tpu.dma_semaphore, #tpu.memory_space<semaphore_mem>>, %arg24: memref<!tpu.dma_semaphore, #tpu.memory_space<semaphore_mem>>, %arg25: memref<!tpu.dma_semaphore, #tpu.memory_space<semaphore_mem>>) attributes {dimension_semantics = [#tpu.dimension_semantics<core_parallel>, #tpu.dimension_semantics<subcore_parallel>], iteration_bounds = array<i64: 2, 16>, scalar_prefetch = 0 : i64, scratch_operands = 19 : i64, tpu.core_type = #tpu.core_type<sc_vector_subcore>, window_params = [{transform_indices = #map}, {transform_indices = #map1}, {transform_indices = #map1}, {transform_indices = #map2}, {transform_indices = #map}]} {
    %mul3A = arith.constant 1024 : i32
    %mul3A_0 = arith.muli %arg1, %mul3A : i32
    %iota3A = tpu.iota {dimensions = array<i32: 0>} : vector<16xi32>
    %scan3A = arith.constant 0 : i32
    %scan3A_1 = arith.constant 0 : i32
    %scan3A_2 = arith.constant 64 : i32
    %scan3A_3 = arith.addi %scan3A_1, %scan3A_2 : i32
    %scan3A_4 = arith.constant 1 : i32
    scf.for %scan3A_252 = %scan3A_1 to %scan3A_3 step %scan3A_4  : i32 {
      %mul3A_253 = arith.constant 16 : i32
      %mul3A_254 = arith.muli %scan3A_252, %mul3A_253 : i32
      %add3A_255 = arith.addi %mul3A_0, %mul3A_254 : i32
      %add3A_256 = vector.broadcast %add3A_255 : i32 to vector<16xi32>
      %add3A_257 = arith.addi %add3A_256, %iota3A : vector<16xi32>
      %shift_right_arithmetic3A = arith.constant 3 : i32
      %shift_right_arithmetic3A_258 = vector.broadcast %shift_right_arithmetic3A : i32 to vector<16xi32>
      %shift_right_arithmetic3A_259 = arith.shrsi %add3A_257, %shift_right_arithmetic3A_258 : vector<16xi32>
      %shift_left3A = arith.constant 4 : i32
      %shift_left3A_260 = vector.broadcast %shift_left3A : i32 to vector<16xi32>
      %shift_left3A_261 = arith.shli %shift_right_arithmetic3A_259, %shift_left3A_260 : vector<16xi32>
      %mul3A_262 = arith.constant 8 : i32
      %mul3A_263 = arith.muli %mul3A_262, %arg0 : i32
      %add3A_264 = vector.broadcast %mul3A_263 : i32 to vector<16xi32>
      %add3A_265 = arith.addi %shift_left3A_261, %add3A_264 : vector<16xi32>
      %and3A = arith.constant 7 : i32
      %and3A_266 = vector.broadcast %and3A : i32 to vector<16xi32>
      %and3A_267 = arith.andi %add3A_257, %and3A_266 : vector<16xi32>
      %add3A_268 = arith.addi %add3A_265, %and3A_267 : vector<16xi32>
      %jit3A = arith.constant 8 : i32
      %div3A = arith.divsi %scan3A_252, %jit3A : i32
      %sign3A = arith.constant 0 : i32
      %sign3A_269 = arith.cmpi sgt, %scan3A_252, %sign3A : i32
      %sign3A_270 = arith.extui %sign3A_269 : i1 to i32
      %sign3A_271 = arith.constant 0 : i32
      %sign3A_272 = arith.cmpi slt, %scan3A_252, %sign3A_271 : i32
      %sign3A_273 = arith.extui %sign3A_272 : i1 to i32
      %sign3A_274 = arith.subi %sign3A_270, %sign3A_273 : i32
      %sign3A_275 = arith.constant 0 : i32
      %sign3A_276 = arith.cmpi sgt, %jit3A, %sign3A_275 : i32
      %sign3A_277 = arith.extui %sign3A_276 : i1 to i32
      %sign3A_278 = arith.constant 0 : i32
      %sign3A_279 = arith.cmpi slt, %jit3A, %sign3A_278 : i32
      %sign3A_280 = arith.extui %sign3A_279 : i1 to i32
      %sign3A_281 = arith.subi %sign3A_277, %sign3A_280 : i32
      %ne3A = arith.cmpi ne, %sign3A_274, %sign3A_281 : i32
      %rem3A = arith.remsi %scan3A_252, %jit3A : i32
      %ne3A_282 = arith.constant 0 : i32
      %ne3A_283 = arith.cmpi ne, %rem3A, %ne3A_282 : i32
      %and3A_284 = arith.andi %ne3A, %ne3A_283 : i1
      %sub3A = arith.constant 1 : i32
      %sub3A_285 = arith.subi %div3A, %sub3A : i32
      %select_n3A = arith.select %and3A_284, %sub3A_285, %div3A : i32
      %jit3A_286 = arith.constant 8 : i32
      %eq3A = arith.constant 0 : i32
      %eq3A_287 = arith.cmpi eq, %jit3A_286, %eq3A : i32
      %jit3A_288 = arith.constant 1 : i32
      %select_n3A_289 = arith.select %eq3A_287, %jit3A_288, %jit3A_286 : i32
      %rem3A_290 = arith.remsi %scan3A_252, %select_n3A_289 : i32
      %ne3A_291 = arith.constant 0 : i32
      %ne3A_292 = arith.cmpi ne, %rem3A_290, %ne3A_291 : i32
      %lt3A = arith.constant 0 : i32
      %lt3A_293 = arith.cmpi slt, %rem3A_290, %lt3A : i32
      %lt3A_294 = arith.constant 0 : i32
      %lt3A_295 = arith.cmpi slt, %select_n3A_289, %lt3A_294 : i32
      %ne3A_296 = arith.xori %lt3A_293, %lt3A_295 : i1
      %and3A_297 = arith.andi %ne3A_296, %ne3A_292 : i1
      %add3A_298 = arith.addi %rem3A_290, %select_n3A_289 : i32
      %select_n3A_299 = arith.select %and3A_297, %add3A_298, %rem3A_290 : i32
      %mul3A_300 = arith.constant 16 : i32
      %mul3A_301 = arith.muli %select_n3A_299, %mul3A_300 : i32
      %swap3A = arith.index_cast %select_n3A : i32 to index
      %swap3A_302 = arith.index_cast %mul3A_301 : i32 to index
      %swap3A_303 = tpu.vector_load %arg12[%swap3A, %swap3A_302] {strides = array<i32>} : memref<8x128xi32, #tpu.memory_space<vmem>>, vector<16xi32>,
      tpu.vector_store %arg12[%swap3A, %swap3A_302], %add3A_268 {strides = array<i32>} : memref<8x128xi32, #tpu.memory_space<vmem>>, vector<16xi32>,
    }
    %scan3A_5 = arith.constant 64 : i32
    "tpu.region"() ({
      %run_scoped3A = tpu.sem_alloc : memref<!tpu.dma_semaphore, #tpu.memory_space<semaphore_mem>>
      %dma_start3A_252 = tpu.memref_slice %arg3[%mul3A_0] : memref<16384xi32, #tpu.memory_space<hbm>> -> memref<1024xi32, #tpu.memory_space<hbm>>
      %dma_start3A_253 = tpu.memref_slice %arg3[%mul3A_0] : memref<16384xi32, #tpu.memory_space<hbm>> -> memref<1024xi32, #tpu.memory_space<hbm>>
      tpu.enqueue_dma source(%dma_start3A_253 : memref<1024xi32, #tpu.memory_space<hbm>>) target(%arg14 : memref<1024xi32, #tpu.memory_space<vmem>>) target_semaphore(%run_scoped3A : memref<!tpu.dma_semaphore, #tpu.memory_space<semaphore_mem>>)
      %dma_wait3A_254 = tpu.memref_slice %arg3[%mul3A_0] : memref<16384xi32, #tpu.memory_space<hbm>> -> memref<1024xi32, #tpu.memory_space<hbm>>
      %dma_wait3A_255 = tpu.memref_slice %arg3[%mul3A_0] : memref<16384xi32, #tpu.memory_space<hbm>> -> memref<1024xi32, #tpu.memory_space<hbm>>
      tpu.wait_dma2 semaphore(%run_scoped3A : memref<!tpu.dma_semaphore, #tpu.memory_space<semaphore_mem>>) src(%dma_wait3A_255 : memref<1024xi32, #tpu.memory_space<hbm>>) dst(%arg14 : memref<1024xi32, #tpu.memory_space<vmem>>)
      tpu.yield
    }) : () -> ()
    "tpu.region"() ({
      %run_scoped3A = tpu.sem_alloc : memref<!tpu.dma_semaphore, #tpu.memory_space<semaphore_mem>>
      %dma_start3A_252 = tpu.memref_slice %arg4[%mul3A_0] : memref<16384xi32, #tpu.memory_space<hbm>> -> memref<1024xi32, #tpu.memory_space<hbm>>
      %dma_start3A_253 = tpu.memref_slice %arg4[%mul3A_0] : memref<16384xi32, #tpu.memory_space<hbm>> -> memref<1024xi32, #tpu.memory_space<hbm>>
      tpu.enqueue_dma source(%dma_start3A_253 : memref<1024xi32, #tpu.memory_space<hbm>>) target(%arg15 : memref<1024xi32, #tpu.memory_space<vmem>>) target_semaphore(%run_scoped3A : memref<!tpu.dma_semaphore, #tpu.memory_space<semaphore_mem>>)
      %dma_wait3A_254 = tpu.memref_slice %arg4[%mul3A_0] : memref<16384xi32, #tpu.memory_space<hbm>> -> memref<1024xi32, #tpu.memory_space<hbm>>
      %dma_wait3A_255 = tpu.memref_slice %arg4[%mul3A_0] : memref<16384xi32, #tpu.memory_space<hbm>> -> memref<1024xi32, #tpu.memory_space<hbm>>
      tpu.wait_dma2 semaphore(%run_scoped3A : memref<!tpu.dma_semaphore, #tpu.memory_space<semaphore_mem>>) src(%dma_wait3A_255 : memref<1024xi32, #tpu.memory_space<hbm>>) dst(%arg15 : memref<1024xi32, #tpu.memory_space<vmem>>)
      tpu.yield
    }) : () -> ()
    %broadcast_in_dim3A = arith.constant 0.000000e+00 : f32
    %broadcast_in_dim3A_6 = vector.broadcast %broadcast_in_dim3A : f32 to vector<16xf32>
    %scan3A_7 = arith.constant 0 : i32
    %scan3A_8 = arith.constant 0 : i32
    %scan3A_9 = arith.constant 128 : i32
    %scan3A_10 = arith.addi %scan3A_8, %scan3A_9 : i32
    %scan3A_11 = arith.constant 1 : i32
    scf.for %scan3A_252 = %scan3A_8 to %scan3A_10 step %scan3A_11  : i32 {
      %swap3A = arith.index_cast %scan3A_252 : i32 to index
      %swap3A_253 = arith.constant 0 : index
      %swap3A_254 = tpu.vector_load %arg7[%swap3A, %swap3A_253] {strides = array<i32>} : memref<128x128xf32, #tpu.memory_space<vmem>>, vector<16xf32>,
      tpu.vector_store %arg7[%swap3A, %swap3A_253], %broadcast_in_dim3A_6 {strides = array<i32>} : memref<128x128xf32, #tpu.memory_space<vmem>>, vector<16xf32>,
      %swap3A_255 = arith.index_cast %scan3A_252 : i32 to index
      %swap3A_256 = arith.constant 16 : index
      %swap3A_257 = tpu.vector_load %arg7[%swap3A_255, %swap3A_256] {strides = array<i32>} : memref<128x128xf32, #tpu.memory_space<vmem>>, vector<16xf32>,
      tpu.vector_store %arg7[%swap3A_255, %swap3A_256], %broadcast_in_dim3A_6 {strides = array<i32>} : memref<128x128xf32, #tpu.memory_space<vmem>>, vector<16xf32>,
      %swap3A_258 = arith.index_cast %scan3A_252 : i32 to index
      %swap3A_259 = arith.constant 32 : index
      %swap3A_260 = tpu.vector_load %arg7[%swap3A_258, %swap3A_259] {strides = array<i32>} : memref<128x128xf32, #tpu.memory_space<vmem>>, vector<16xf32>,
      tpu.vector_store %arg7[%swap3A_258, %swap3A_259], %broadcast_in_dim3A_6 {strides = array<i32>} : memref<128x128xf32, #tpu.memory_space<vmem>>, vector<16xf32>,
      %swap3A_261 = arith.index_cast %scan3A_252 : i32 to index
      %swap3A_262 = arith.constant 48 : index
      %swap3A_263 = tpu.vector_load %arg7[%swap3A_261, %swap3A_262] {strides = array<i32>} : memref<128x128xf32, #tpu.memory_space<vmem>>, vector<16xf32>,
      tpu.vector_store %arg7[%swap3A_261, %swap3A_262], %broadcast_in_dim3A_6 {strides = array<i32>} : memref<128x128xf32, #tpu.memory_space<vmem>>, vector<16xf32>,
      %swap3A_264 = arith.index_cast %scan3A_252 : i32 to index
      %swap3A_265 = arith.constant 64 : index
      %swap3A_266 = tpu.vector_load %arg7[%swap3A_264, %swap3A_265] {strides = array<i32>} : memref<128x128xf32, #tpu.memory_space<vmem>>, vector<16xf32>,
      tpu.vector_store %arg7[%swap3A_264, %swap3A_265], %broadcast_in_dim3A_6 {strides = array<i32>} : memref<128x128xf32, #tpu.memory_space<vmem>>, vector<16xf32>,
      %swap3A_267 = arith.index_cast %scan3A_252 : i32 to index
      %swap3A_268 = arith.constant 80 : index
      %swap3A_269 = tpu.vector_load %arg7[%swap3A_267, %swap3A_268] {strides = array<i32>} : memref<128x128xf32, #tpu.memory_space<vmem>>, vector<16xf32>,
      tpu.vector_store %arg7[%swap3A_267, %swap3A_268], %broadcast_in_dim3A_6 {strides = array<i32>} : memref<128x128xf32, #tpu.memory_space<vmem>>, vector<16xf32>,
      %swap3A_270 = arith.index_cast %scan3A_252 : i32 to index
      %swap3A_271 = arith.constant 96 : index
      %swap3A_272 = tpu.vector_load %arg7[%swap3A_270, %swap3A_271] {strides = array<i32>} : memref<128x128xf32, #tpu.memory_space<vmem>>, vector<16xf32>,
      tpu.vector_store %arg7[%swap3A_270, %swap3A_271], %broadcast_in_dim3A_6 {strides = array<i32>} : memref<128x128xf32, #tpu.memory_space<vmem>>, vector<16xf32>,
      %swap3A_273 = arith.index_cast %scan3A_252 : i32 to index
      %swap3A_274 = arith.constant 112 : index
      %swap3A_275 = tpu.vector_load %arg7[%swap3A_273, %swap3A_274] {strides = array<i32>} : memref<128x128xf32, #tpu.memory_space<vmem>>, vector<16xf32>,
      tpu.vector_store %arg7[%swap3A_273, %swap3A_274], %broadcast_in_dim3A_6 {strides = array<i32>} : memref<128x128xf32, #tpu.memory_space<vmem>>, vector<16xf32>,
      %mul3A_276 = arith.constant 16 : i32
      %mul3A_277 = arith.muli %scan3A_252, %mul3A_276 : i32
      %swap3A_278 = arith.index_cast %mul3A_277 : i32 to index
      %swap3A_279 = tpu.vector_load %arg16[%swap3A_278] {strides = array<i32>} : memref<4096xf32, #tpu.memory_space<vmem>>, vector<16xf32>,
      tpu.vector_store %arg16[%swap3A_278], %broadcast_in_dim3A_6 {strides = array<i32>} : memref<4096xf32, #tpu.memory_space<vmem>>, vector<16xf32>,
      %add3A_280 = arith.constant 128 : i32
      %add3A_281 = arith.addi %scan3A_252, %add3A_280 : i32
      %mul3A_282 = arith.constant 16 : i32
      %mul3A_283 = arith.muli %add3A_281, %mul3A_282 : i32
      %swap3A_284 = arith.index_cast %mul3A_283 : i32 to index
      %swap3A_285 = tpu.vector_load %arg16[%swap3A_284] {strides = array<i32>} : memref<4096xf32, #tpu.memory_space<vmem>>, vector<16xf32>,
      tpu.vector_store %arg16[%swap3A_284], %broadcast_in_dim3A_6 {strides = array<i32>} : memref<4096xf32, #tpu.memory_space<vmem>>, vector<16xf32>,
    }
    %scan3A_12 = arith.constant 128 : i32
    %dma_start3A = arith.constant 0 : i32
    %dma_start3A_13 = arith.constant 0 : i32
    %dma_start3A_14 = tpu.memref_slice %arg12[%dma_start3A, %dma_start3A_13] : memref<8x128xi32, #tpu.memory_space<vmem>> -> memref<1x128xi32, #tpu.memory_space<vmem>>
    %dma_start3A_15 = tpu.memref_squeeze %dma_start3A_14 : memref<1x128xi32, #tpu.memory_space<vmem>> -> memref<128xi32, #tpu.memory_space<vmem>>
    %dma_start3A_16 = arith.constant 0 : i32
    %dma_start3A_17 = arith.constant 0 : i32
    %dma_start3A_18 = tpu.memref_slice %arg2[%dma_start3A_16, %dma_start3A_17] : memref<32768x128xf32, #tpu.memory_space<hbm>> -> memref<32768x128xf32, #tpu.memory_space<hbm>>
    tpu.enqueue_indirect_dma source(%dma_start3A_18 : memref<32768x128xf32, #tpu.memory_space<hbm>>) target(%arg8 : memref<128x128xf32, #tpu.memory_space<vmem>>) offsets(%dma_start3A_15 : memref<128xi32, #tpu.memory_space<vmem>>) semaphore(%arg18 : memref<!tpu.dma_semaphore, #tpu.memory_space<semaphore_mem>>)
    %dma_start3A_19 = arith.constant 1 : i32
    %dma_start3A_20 = arith.constant 0 : i32
    %dma_start3A_21 = tpu.memref_slice %arg12[%dma_start3A_19, %dma_start3A_20] : memref<8x128xi32, #tpu.memory_space<vmem>> -> memref<1x128xi32, #tpu.memory_space<vmem>>
    %dma_start3A_22 = tpu.memref_squeeze %dma_start3A_21 : memref<1x128xi32, #tpu.memory_space<vmem>> -> memref<128xi32, #tpu.memory_space<vmem>>
    %dma_start3A_23 = arith.constant 0 : i32
    %dma_start3A_24 = arith.constant 0 : i32
    %dma_start3A_25 = tpu.memref_slice %arg2[%dma_start3A_23, %dma_start3A_24] : memref<32768x128xf32, #tpu.memory_space<hbm>> -> memref<32768x128xf32, #tpu.memory_space<hbm>>
    tpu.enqueue_indirect_dma source(%dma_start3A_25 : memref<32768x128xf32, #tpu.memory_space<hbm>>) target(%arg9 : memref<128x128xf32, #tpu.memory_space<vmem>>) offsets(%dma_start3A_22 : memref<128xi32, #tpu.memory_space<vmem>>) semaphore(%arg19 : memref<!tpu.dma_semaphore, #tpu.memory_space<semaphore_mem>>)
    %dma_start3A_26 = arith.constant 2 : i32
    %dma_start3A_27 = arith.constant 0 : i32
    %dma_start3A_28 = tpu.memref_slice %arg12[%dma_start3A_26, %dma_start3A_27] : memref<8x128xi32, #tpu.memory_space<vmem>> -> memref<1x128xi32, #tpu.memory_space<vmem>>
    %dma_start3A_29 = tpu.memref_squeeze %dma_start3A_28 : memref<1x128xi32, #tpu.memory_space<vmem>> -> memref<128xi32, #tpu.memory_space<vmem>>
    %dma_start3A_30 = arith.constant 0 : i32
    %dma_start3A_31 = arith.constant 0 : i32
    %dma_start3A_32 = tpu.memref_slice %arg2[%dma_start3A_30, %dma_start3A_31] : memref<32768x128xf32, #tpu.memory_space<hbm>> -> memref<32768x128xf32, #tpu.memory_space<hbm>>
    tpu.enqueue_indirect_dma source(%dma_start3A_32 : memref<32768x128xf32, #tpu.memory_space<hbm>>) target(%arg10 : memref<128x128xf32, #tpu.memory_space<vmem>>) offsets(%dma_start3A_29 : memref<128xi32, #tpu.memory_space<vmem>>) semaphore(%arg20 : memref<!tpu.dma_semaphore, #tpu.memory_space<semaphore_mem>>)
    %dma_start3A_33 = arith.constant 3 : i32
    %dma_start3A_34 = arith.constant 0 : i32
    %dma_start3A_35 = tpu.memref_slice %arg12[%dma_start3A_33, %dma_start3A_34] : memref<8x128xi32, #tpu.memory_space<vmem>> -> memref<1x128xi32, #tpu.memory_space<vmem>>
    %dma_start3A_36 = tpu.memref_squeeze %dma_start3A_35 : memref<1x128xi32, #tpu.memory_space<vmem>> -> memref<128xi32, #tpu.memory_space<vmem>>
    %dma_start3A_37 = arith.constant 0 : i32
    %dma_start3A_38 = arith.constant 0 : i32
    %dma_start3A_39 = tpu.memref_slice %arg2[%dma_start3A_37, %dma_start3A_38] : memref<32768x128xf32, #tpu.memory_space<hbm>> -> memref<32768x128xf32, #tpu.memory_space<hbm>>
    tpu.enqueue_indirect_dma source(%dma_start3A_39 : memref<32768x128xf32, #tpu.memory_space<hbm>>) target(%arg11 : memref<128x128xf32, #tpu.memory_space<vmem>>) offsets(%dma_start3A_36 : memref<128xi32, #tpu.memory_space<vmem>>) semaphore(%arg21 : memref<!tpu.dma_semaphore, #tpu.memory_space<semaphore_mem>>)
    %mul3A_40 = arith.constant 256 : i32
    %mul3A_41 = arith.muli %arg1, %mul3A_40 : i32
    "tpu.region"() ({
      %run_scoped3A = tpu.sem_alloc : memref<!tpu.dma_semaphore, #tpu.memory_space<semaphore_mem>>
      %dma_start3A_252 = arith.constant 0 : i32
      %dma_start3A_253 = tpu.memref_slice %arg17[%mul3A_41, %dma_start3A_252] : memref<4096x128xf32, #tpu.memory_space<vmem_shared>> -> memref<128x128xf32, #tpu.memory_space<vmem_shared>>
      %dma_start3A_254 = arith.constant 0 : i32
      %dma_start3A_255 = tpu.memref_slice %arg17[%mul3A_41, %dma_start3A_254] : memref<4096x128xf32, #tpu.memory_space<vmem_shared>> -> memref<128x128xf32, #tpu.memory_space<vmem_shared>>
      tpu.enqueue_dma source(%arg7 : memref<128x128xf32, #tpu.memory_space<vmem>>) target(%dma_start3A_255 : memref<128x128xf32, #tpu.memory_space<vmem_shared>>) target_semaphore(%run_scoped3A : memref<!tpu.dma_semaphore, #tpu.memory_space<semaphore_mem>>)
      %dma_wait3A_256 = arith.constant 0 : i32
      %dma_wait3A_257 = tpu.memref_slice %arg17[%mul3A_41, %dma_wait3A_256] : memref<4096x128xf32, #tpu.memory_space<vmem_shared>> -> memref<128x128xf32, #tpu.memory_space<vmem_shared>>
      %dma_wait3A_258 = arith.constant 0 : i32
      %dma_wait3A_259 = tpu.memref_slice %arg17[%mul3A_41, %dma_wait3A_258] : memref<4096x128xf32, #tpu.memory_space<vmem_shared>> -> memref<128x128xf32, #tpu.memory_space<vmem_shared>>
      tpu.wait_dma2 semaphore(%run_scoped3A : memref<!tpu.dma_semaphore, #tpu.memory_space<semaphore_mem>>) src(%arg7 : memref<128x128xf32, #tpu.memory_space<vmem>>) dst(%dma_wait3A_259 : memref<128x128xf32, #tpu.memory_space<vmem_shared>>)
      tpu.yield
    }) : () -> ()
    %add3A = arith.constant 128 : i32
    %add3A_42 = arith.addi %mul3A_41, %add3A : i32
    "tpu.region"() ({
      %run_scoped3A = tpu.sem_alloc : memref<!tpu.dma_semaphore, #tpu.memory_space<semaphore_mem>>
      %dma_start3A_252 = arith.constant 0 : i32
      %dma_start3A_253 = tpu.memref_slice %arg17[%add3A_42, %dma_start3A_252] : memref<4096x128xf32, #tpu.memory_space<vmem_shared>> -> memref<128x128xf32, #tpu.memory_space<vmem_shared>>
      %dma_start3A_254 = arith.constant 0 : i32
      %dma_start3A_255 = tpu.memref_slice %arg17[%add3A_42, %dma_start3A_254] : memref<4096x128xf32, #tpu.memory_space<vmem_shared>> -> memref<128x128xf32, #tpu.memory_space<vmem_shared>>
      tpu.enqueue_dma source(%arg7 : memref<128x128xf32, #tpu.memory_space<vmem>>) target(%dma_start3A_255 : memref<128x128xf32, #tpu.memory_space<vmem_shared>>) target_semaphore(%run_scoped3A : memref<!tpu.dma_semaphore, #tpu.memory_space<semaphore_mem>>)
      %dma_wait3A_256 = arith.constant 0 : i32
      %dma_wait3A_257 = tpu.memref_slice %arg17[%add3A_42, %dma_wait3A_256] : memref<4096x128xf32, #tpu.memory_space<vmem_shared>> -> memref<128x128xf32, #tpu.memory_space<vmem_shared>>
      %dma_wait3A_258 = arith.constant 0 : i32
      %dma_wait3A_259 = tpu.memref_slice %arg17[%add3A_42, %dma_wait3A_258] : memref<4096x128xf32, #tpu.memory_space<vmem_shared>> -> memref<128x128xf32, #tpu.memory_space<vmem_shared>>
      tpu.wait_dma2 semaphore(%run_scoped3A : memref<!tpu.dma_semaphore, #tpu.memory_space<semaphore_mem>>) src(%arg7 : memref<128x128xf32, #tpu.memory_space<vmem>>) dst(%dma_wait3A_259 : memref<128x128xf32, #tpu.memory_space<vmem_shared>>)
      tpu.yield
    }) : () -> ()
    %add3A_43 = arith.constant 1.000000e+00 : f32
    %add3A_44 = vector.broadcast %add3A_43 : f32 to vector<16xf32>
    %add3A_45 = arith.addf %broadcast_in_dim3A_6, %add3A_44 : vector<16xf32>
    %mul3A_46 = arith.constant 32 : i32
    %mul3A_47 = arith.muli %arg0, %mul3A_46 : i32
    %scan3A_48 = arith.constant 0 : i32
    %scan3A_49 = arith.constant 0 : i32
    %scan3A_50 = arith.constant 64 : i32
    %scan3A_51 = arith.addi %scan3A_49, %scan3A_50 : i32
    %scan3A_52 = arith.constant 1 : i32
    scf.for %scan3A_252 = %scan3A_49 to %scan3A_51 step %scan3A_52  : i32 {
      %mul3A_253 = arith.constant 16 : i32
      %mul3A_254 = arith.muli %scan3A_252, %mul3A_253 : i32
      %get3A = arith.index_cast %mul3A_254 : i32 to index
      %get3A_255 = tpu.vector_load %arg15[%get3A] {strides = array<i32>} : memref<1024xi32, #tpu.memory_space<vmem>>, vector<16xi32>,
      %mul3A_256 = arith.constant 1024 : i32
      %mul3A_257 = vector.broadcast %mul3A_256 : i32 to vector<16xi32>
      %mul3A_258 = arith.muli %get3A_255, %mul3A_257 : vector<16xi32>
      %mul3A_259 = arith.constant 16 : i32
      %mul3A_260 = arith.muli %scan3A_252, %mul3A_259 : i32
      %get3A_261 = arith.index_cast %mul3A_260 : i32 to index
      %get3A_262 = tpu.vector_load %arg14[%get3A_261] {strides = array<i32>} : memref<1024xi32, #tpu.memory_space<vmem>>, vector<16xi32>,
      %add3A_263 = arith.addi %mul3A_258, %get3A_262 : vector<16xi32>
      %jit3A = arith.constant 8 : i32
      %div3A = arith.divsi %scan3A_252, %jit3A : i32
      %sign3A = arith.constant 0 : i32
      %sign3A_264 = arith.cmpi sgt, %scan3A_252, %sign3A : i32
      %sign3A_265 = arith.extui %sign3A_264 : i1 to i32
      %sign3A_266 = arith.constant 0 : i32
      %sign3A_267 = arith.cmpi slt, %scan3A_252, %sign3A_266 : i32
      %sign3A_268 = arith.extui %sign3A_267 : i1 to i32
      %sign3A_269 = arith.subi %sign3A_265, %sign3A_268 : i32
      %sign3A_270 = arith.constant 0 : i32
      %sign3A_271 = arith.cmpi sgt, %jit3A, %sign3A_270 : i32
      %sign3A_272 = arith.extui %sign3A_271 : i1 to i32
      %sign3A_273 = arith.constant 0 : i32
      %sign3A_274 = arith.cmpi slt, %jit3A, %sign3A_273 : i32
      %sign3A_275 = arith.extui %sign3A_274 : i1 to i32
      %sign3A_276 = arith.subi %sign3A_272, %sign3A_275 : i32
      %ne3A = arith.cmpi ne, %sign3A_269, %sign3A_276 : i32
      %rem3A = arith.remsi %scan3A_252, %jit3A : i32
      %ne3A_277 = arith.constant 0 : i32
      %ne3A_278 = arith.cmpi ne, %rem3A, %ne3A_277 : i32
      %and3A = arith.andi %ne3A, %ne3A_278 : i1
      %sub3A = arith.constant 1 : i32
      %sub3A_279 = arith.subi %div3A, %sub3A : i32
      %select_n3A = arith.select %and3A, %sub3A_279, %div3A : i32
      %jit3A_280 = arith.constant 8 : i32
      %eq3A = arith.constant 0 : i32
      %eq3A_281 = arith.cmpi eq, %jit3A_280, %eq3A : i32
      %jit3A_282 = arith.constant 1 : i32
      %select_n3A_283 = arith.select %eq3A_281, %jit3A_282, %jit3A_280 : i32
      %rem3A_284 = arith.remsi %scan3A_252, %select_n3A_283 : i32
      %ne3A_285 = arith.constant 0 : i32
      %ne3A_286 = arith.cmpi ne, %rem3A_284, %ne3A_285 : i32
      %lt3A = arith.constant 0 : i32
      %lt3A_287 = arith.cmpi slt, %rem3A_284, %lt3A : i32
      %lt3A_288 = arith.constant 0 : i32
      %lt3A_289 = arith.cmpi slt, %select_n3A_283, %lt3A_288 : i32
      %ne3A_290 = arith.xori %lt3A_287, %lt3A_289 : i1
      %and3A_291 = arith.andi %ne3A_290, %ne3A_286 : i1
      %add3A_292 = arith.addi %rem3A_284, %select_n3A_283 : i32
      %select_n3A_293 = arith.select %and3A_291, %add3A_292, %rem3A_284 : i32
      %mul3A_294 = arith.constant 16 : i32
      %mul3A_295 = arith.muli %select_n3A_293, %mul3A_294 : i32
      %swap3A = arith.index_cast %select_n3A : i32 to index
      %swap3A_296 = arith.index_cast %mul3A_295 : i32 to index
      %swap3A_297 = tpu.vector_load %arg13[%swap3A, %swap3A_296] {strides = array<i32>} : memref<8x128xi32, #tpu.memory_space<vmem>>, vector<16xi32>,
      tpu.vector_store %arg13[%swap3A, %swap3A_296], %add3A_263 {strides = array<i32>} : memref<8x128xi32, #tpu.memory_space<vmem>>, vector<16xi32>,
    }
    %scan3A_53 = arith.constant 64 : i32
    %scan3A_54 = arith.constant 0 : i32
    %scan3A_55 = arith.constant 0 : i32
    %scan3A_56 = arith.constant 32 : i32
    %scan3A_57 = arith.addi %scan3A_55, %scan3A_56 : i32
    %scan3A_58 = arith.constant 1 : i32
    scf.for %scan3A_252 = %scan3A_55 to %scan3A_57 step %scan3A_58  : i32 {
      %add3A_253 = arith.addi %mul3A_47, %scan3A_252 : i32
      %mul3A_254 = arith.constant 16 : i32
      %mul3A_255 = arith.muli %add3A_253, %mul3A_254 : i32
      %get3A = arith.index_cast %mul3A_255 : i32 to index
      %get3A_256 = tpu.vector_load %arg15[%get3A] {strides = array<i32>} : memref<1024xi32, #tpu.memory_space<vmem>>, vector<16xi32>,
      %mul3A_257 = arith.constant 1024 : i32
      %mul3A_258 = vector.broadcast %mul3A_257 : i32 to vector<16xi32>
      %mul3A_259 = arith.muli %get3A_256, %mul3A_258 : vector<16xi32>
      %add3A_260 = arith.addi %mul3A_47, %scan3A_252 : i32
      %mul3A_261 = arith.constant 16 : i32
      %mul3A_262 = arith.muli %add3A_260, %mul3A_261 : i32
      %get3A_263 = arith.index_cast %mul3A_262 : i32 to index
      %get3A_264 = tpu.vector_load %arg14[%get3A_263] {strides = array<i32>} : memref<1024xi32, #tpu.memory_space<vmem>>, vector<16xi32>,
      %add3A_265 = arith.addi %mul3A_259, %get3A_264 : vector<16xi32>
      tpu.vector_store_idx %arg16[%add3A_265], %add3A_45 {add = true} : memref<4096xf32, #tpu.memory_space<vmem>>[vector<16xi32>], vector<16xf32>,
    }
    %scan3A_59 = arith.constant 32 : i32
    %barrier3A = arith.constant 0 : index
    tpu.barrier barrier_id(%barrier3A)
    %dma_wait3A = arith.constant 0 : i32
    %dma_wait3A_60 = arith.constant 0 : i32
    %dma_wait3A_61 = tpu.memref_slice %arg12[%dma_wait3A, %dma_wait3A_60] : memref<8x128xi32, #tpu.memory_space<vmem>> -> memref<1x128xi32, #tpu.memory_space<vmem>>
    %dma_wait3A_62 = tpu.memref_squeeze %dma_wait3A_61 : memref<1x128xi32, #tpu.memory_space<vmem>> -> memref<128xi32, #tpu.memory_space<vmem>>
    %dma_wait3A_63 = arith.constant 0 : i32
    %dma_wait3A_64 = arith.constant 0 : i32
    %dma_wait3A_65 = tpu.memref_slice %arg2[%dma_wait3A_63, %dma_wait3A_64] : memref<32768x128xf32, #tpu.memory_space<hbm>> -> memref<32768x128xf32, #tpu.memory_space<hbm>>
    tpu.wait_indirect_dma semaphore(%arg18 : memref<!tpu.dma_semaphore, #tpu.memory_space<semaphore_mem>>) src(%dma_wait3A_65 : memref<32768x128xf32, #tpu.memory_space<hbm>>) dst(%arg8 : memref<128x128xf32, #tpu.memory_space<vmem>>)
    %dma_start3A_66 = arith.constant 0 : i32
    %dma_start3A_67 = arith.constant 0 : i32
    %dma_start3A_68 = tpu.memref_slice %arg13[%dma_start3A_66, %dma_start3A_67] : memref<8x128xi32, #tpu.memory_space<vmem>> -> memref<1x128xi32, #tpu.memory_space<vmem>>
    %dma_start3A_69 = tpu.memref_squeeze %dma_start3A_68 : memref<1x128xi32, #tpu.memory_space<vmem>> -> memref<128xi32, #tpu.memory_space<vmem>>
    %dma_start3A_70 = arith.constant 0 : i32
    %dma_start3A_71 = arith.constant 0 : i32
    %dma_start3A_72 = tpu.memref_slice %arg17[%dma_start3A_70, %dma_start3A_71] : memref<4096x128xf32, #tpu.memory_space<vmem_shared>> -> memref<4096x128xf32, #tpu.memory_space<vmem_shared>>
    tpu.enqueue_indirect_dma source(%arg8 : memref<128x128xf32, #tpu.memory_space<vmem>>) target(%dma_start3A_72 : memref<4096x128xf32, #tpu.memory_space<vmem_shared>>) offsets(%dma_start3A_69 : memref<128xi32, #tpu.memory_space<vmem>>) semaphore(%arg22 : memref<!tpu.dma_semaphore, #tpu.memory_space<semaphore_mem>>) {add = true}
    %dma_wait3A_73 = arith.constant 1 : i32
    %dma_wait3A_74 = arith.constant 0 : i32
    %dma_wait3A_75 = tpu.memref_slice %arg12[%dma_wait3A_73, %dma_wait3A_74] : memref<8x128xi32, #tpu.memory_space<vmem>> -> memref<1x128xi32, #tpu.memory_space<vmem>>
    %dma_wait3A_76 = tpu.memref_squeeze %dma_wait3A_75 : memref<1x128xi32, #tpu.memory_space<vmem>> -> memref<128xi32, #tpu.memory_space<vmem>>
    %dma_wait3A_77 = arith.constant 0 : i32
    %dma_wait3A_78 = arith.constant 0 : i32
    %dma_wait3A_79 = tpu.memref_slice %arg2[%dma_wait3A_77, %dma_wait3A_78] : memref<32768x128xf32, #tpu.memory_space<hbm>> -> memref<32768x128xf32, #tpu.memory_space<hbm>>
    tpu.wait_indirect_dma semaphore(%arg19 : memref<!tpu.dma_semaphore, #tpu.memory_space<semaphore_mem>>) src(%dma_wait3A_79 : memref<32768x128xf32, #tpu.memory_space<hbm>>) dst(%arg9 : memref<128x128xf32, #tpu.memory_space<vmem>>)
    %dma_start3A_80 = arith.constant 1 : i32
    %dma_start3A_81 = arith.constant 0 : i32
    %dma_start3A_82 = tpu.memref_slice %arg13[%dma_start3A_80, %dma_start3A_81] : memref<8x128xi32, #tpu.memory_space<vmem>> -> memref<1x128xi32, #tpu.memory_space<vmem>>
    %dma_start3A_83 = tpu.memref_squeeze %dma_start3A_82 : memref<1x128xi32, #tpu.memory_space<vmem>> -> memref<128xi32, #tpu.memory_space<vmem>>
    %dma_start3A_84 = arith.constant 0 : i32
    %dma_start3A_85 = arith.constant 0 : i32
    %dma_start3A_86 = tpu.memref_slice %arg17[%dma_start3A_84, %dma_start3A_85] : memref<4096x128xf32, #tpu.memory_space<vmem_shared>> -> memref<4096x128xf32, #tpu.memory_space<vmem_shared>>
    tpu.enqueue_indirect_dma source(%arg9 : memref<128x128xf32, #tpu.memory_space<vmem>>) target(%dma_start3A_86 : memref<4096x128xf32, #tpu.memory_space<vmem_shared>>) offsets(%dma_start3A_83 : memref<128xi32, #tpu.memory_space<vmem>>) semaphore(%arg23 : memref<!tpu.dma_semaphore, #tpu.memory_space<semaphore_mem>>) {add = true}
    %dma_wait3A_87 = arith.constant 2 : i32
    %dma_wait3A_88 = arith.constant 0 : i32
    %dma_wait3A_89 = tpu.memref_slice %arg12[%dma_wait3A_87, %dma_wait3A_88] : memref<8x128xi32, #tpu.memory_space<vmem>> -> memref<1x128xi32, #tpu.memory_space<vmem>>
    %dma_wait3A_90 = tpu.memref_squeeze %dma_wait3A_89 : memref<1x128xi32, #tpu.memory_space<vmem>> -> memref<128xi32, #tpu.memory_space<vmem>>
    %dma_wait3A_91 = arith.constant 0 : i32
    %dma_wait3A_92 = arith.constant 0 : i32
    %dma_wait3A_93 = tpu.memref_slice %arg2[%dma_wait3A_91, %dma_wait3A_92] : memref<32768x128xf32, #tpu.memory_space<hbm>> -> memref<32768x128xf32, #tpu.memory_space<hbm>>
    tpu.wait_indirect_dma semaphore(%arg20 : memref<!tpu.dma_semaphore, #tpu.memory_space<semaphore_mem>>) src(%dma_wait3A_93 : memref<32768x128xf32, #tpu.memory_space<hbm>>) dst(%arg10 : memref<128x128xf32, #tpu.memory_space<vmem>>)
    %dma_start3A_94 = arith.constant 2 : i32
    %dma_start3A_95 = arith.constant 0 : i32
    %dma_start3A_96 = tpu.memref_slice %arg13[%dma_start3A_94, %dma_start3A_95] : memref<8x128xi32, #tpu.memory_space<vmem>> -> memref<1x128xi32, #tpu.memory_space<vmem>>
    %dma_start3A_97 = tpu.memref_squeeze %dma_start3A_96 : memref<1x128xi32, #tpu.memory_space<vmem>> -> memref<128xi32, #tpu.memory_space<vmem>>
    %dma_start3A_98 = arith.constant 0 : i32
    %dma_start3A_99 = arith.constant 0 : i32
    %dma_start3A_100 = tpu.memref_slice %arg17[%dma_start3A_98, %dma_start3A_99] : memref<4096x128xf32, #tpu.memory_space<vmem_shared>> -> memref<4096x128xf32, #tpu.memory_space<vmem_shared>>
    tpu.enqueue_indirect_dma source(%arg10 : memref<128x128xf32, #tpu.memory_space<vmem>>) target(%dma_start3A_100 : memref<4096x128xf32, #tpu.memory_space<vmem_shared>>) offsets(%dma_start3A_97 : memref<128xi32, #tpu.memory_space<vmem>>) semaphore(%arg24 : memref<!tpu.dma_semaphore, #tpu.memory_space<semaphore_mem>>) {add = true}
    %dma_wait3A_101 = arith.constant 0 : i32
    %dma_wait3A_102 = arith.constant 0 : i32
    %dma_wait3A_103 = tpu.memref_slice %arg13[%dma_wait3A_101, %dma_wait3A_102] : memref<8x128xi32, #tpu.memory_space<vmem>> -> memref<1x128xi32, #tpu.memory_space<vmem>>
    %dma_wait3A_104 = tpu.memref_squeeze %dma_wait3A_103 : memref<1x128xi32, #tpu.memory_space<vmem>> -> memref<128xi32, #tpu.memory_space<vmem>>
    %dma_wait3A_105 = arith.constant 0 : i32
    %dma_wait3A_106 = arith.constant 0 : i32
    %dma_wait3A_107 = tpu.memref_slice %arg17[%dma_wait3A_105, %dma_wait3A_106] : memref<4096x128xf32, #tpu.memory_space<vmem_shared>> -> memref<4096x128xf32, #tpu.memory_space<vmem_shared>>
    tpu.wait_indirect_dma semaphore(%arg22 : memref<!tpu.dma_semaphore, #tpu.memory_space<semaphore_mem>>) src(%arg8 : memref<128x128xf32, #tpu.memory_space<vmem>>) dst(%dma_wait3A_107 : memref<4096x128xf32, #tpu.memory_space<vmem_shared>>)
    %dma_start3A_108 = arith.constant 4 : i32
    %dma_start3A_109 = arith.constant 0 : i32
    %dma_start3A_110 = tpu.memref_slice %arg12[%dma_start3A_108, %dma_start3A_109] : memref<8x128xi32, #tpu.memory_space<vmem>> -> memref<1x128xi32, #tpu.memory_space<vmem>>
    %dma_start3A_111 = tpu.memref_squeeze %dma_start3A_110 : memref<1x128xi32, #tpu.memory_space<vmem>> -> memref<128xi32, #tpu.memory_space<vmem>>
    %dma_start3A_112 = arith.constant 0 : i32
    %dma_start3A_113 = arith.constant 0 : i32
    %dma_start3A_114 = tpu.memref_slice %arg2[%dma_start3A_112, %dma_start3A_113] : memref<32768x128xf32, #tpu.memory_space<hbm>> -> memref<32768x128xf32, #tpu.memory_space<hbm>>
    tpu.enqueue_indirect_dma source(%dma_start3A_114 : memref<32768x128xf32, #tpu.memory_space<hbm>>) target(%arg8 : memref<128x128xf32, #tpu.memory_space<vmem>>) offsets(%dma_start3A_111 : memref<128xi32, #tpu.memory_space<vmem>>) semaphore(%arg18 : memref<!tpu.dma_semaphore, #tpu.memory_space<semaphore_mem>>)
    %dma_wait3A_115 = arith.constant 3 : i32
    %dma_wait3A_116 = arith.constant 0 : i32
    %dma_wait3A_117 = tpu.memref_slice %arg12[%dma_wait3A_115, %dma_wait3A_116] : memref<8x128xi32, #tpu.memory_space<vmem>> -> memref<1x128xi32, #tpu.memory_space<vmem>>
    %dma_wait3A_118 = tpu.memref_squeeze %dma_wait3A_117 : memref<1x128xi32, #tpu.memory_space<vmem>> -> memref<128xi32, #tpu.memory_space<vmem>>
    %dma_wait3A_119 = arith.constant 0 : i32
    %dma_wait3A_120 = arith.constant 0 : i32
    %dma_wait3A_121 = tpu.memref_slice %arg2[%dma_wait3A_119, %dma_wait3A_120] : memref<32768x128xf32, #tpu.memory_space<hbm>> -> memref<32768x128xf32, #tpu.memory_space<hbm>>
    tpu.wait_indirect_dma semaphore(%arg21 : memref<!tpu.dma_semaphore, #tpu.memory_space<semaphore_mem>>) src(%dma_wait3A_121 : memref<32768x128xf32, #tpu.memory_space<hbm>>) dst(%arg11 : memref<128x128xf32, #tpu.memory_space<vmem>>)
    %dma_start3A_122 = arith.constant 3 : i32
    %dma_start3A_123 = arith.constant 0 : i32
    %dma_start3A_124 = tpu.memref_slice %arg13[%dma_start3A_122, %dma_start3A_123] : memref<8x128xi32, #tpu.memory_space<vmem>> -> memref<1x128xi32, #tpu.memory_space<vmem>>
    %dma_start3A_125 = tpu.memref_squeeze %dma_start3A_124 : memref<1x128xi32, #tpu.memory_space<vmem>> -> memref<128xi32, #tpu.memory_space<vmem>>
    %dma_start3A_126 = arith.constant 0 : i32
    %dma_start3A_127 = arith.constant 0 : i32
    %dma_start3A_128 = tpu.memref_slice %arg17[%dma_start3A_126, %dma_start3A_127] : memref<4096x128xf32, #tpu.memory_space<vmem_shared>> -> memref<4096x128xf32, #tpu.memory_space<vmem_shared>>
    tpu.enqueue_indirect_dma source(%arg11 : memref<128x128xf32, #tpu.memory_space<vmem>>) target(%dma_start3A_128 : memref<4096x128xf32, #tpu.memory_space<vmem_shared>>) offsets(%dma_start3A_125 : memref<128xi32, #tpu.memory_space<vmem>>) semaphore(%arg25 : memref<!tpu.dma_semaphore, #tpu.memory_space<semaphore_mem>>) {add = true}
    %dma_wait3A_129 = arith.constant 1 : i32
    %dma_wait3A_130 = arith.constant 0 : i32
    %dma_wait3A_131 = tpu.memref_slice %arg13[%dma_wait3A_129, %dma_wait3A_130] : memref<8x128xi32, #tpu.memory_space<vmem>> -> memref<1x128xi32, #tpu.memory_space<vmem>>
    %dma_wait3A_132 = tpu.memref_squeeze %dma_wait3A_131 : memref<1x128xi32, #tpu.memory_space<vmem>> -> memref<128xi32, #tpu.memory_space<vmem>>
    %dma_wait3A_133 = arith.constant 0 : i32
    %dma_wait3A_134 = arith.constant 0 : i32
    %dma_wait3A_135 = tpu.memref_slice %arg17[%dma_wait3A_133, %dma_wait3A_134] : memref<4096x128xf32, #tpu.memory_space<vmem_shared>> -> memref<4096x128xf32, #tpu.memory_space<vmem_shared>>
    tpu.wait_indirect_dma semaphore(%arg23 : memref<!tpu.dma_semaphore, #tpu.memory_space<semaphore_mem>>) src(%arg9 : memref<128x128xf32, #tpu.memory_space<vmem>>) dst(%dma_wait3A_135 : memref<4096x128xf32, #tpu.memory_space<vmem_shared>>)
    %dma_start3A_136 = arith.constant 5 : i32
    %dma_start3A_137 = arith.constant 0 : i32
    %dma_start3A_138 = tpu.memref_slice %arg12[%dma_start3A_136, %dma_start3A_137] : memref<8x128xi32, #tpu.memory_space<vmem>> -> memref<1x128xi32, #tpu.memory_space<vmem>>
    %dma_start3A_139 = tpu.memref_squeeze %dma_start3A_138 : memref<1x128xi32, #tpu.memory_space<vmem>> -> memref<128xi32, #tpu.memory_space<vmem>>
    %dma_start3A_140 = arith.constant 0 : i32
    %dma_start3A_141 = arith.constant 0 : i32
    %dma_start3A_142 = tpu.memref_slice %arg2[%dma_start3A_140, %dma_start3A_141] : memref<32768x128xf32, #tpu.memory_space<hbm>> -> memref<32768x128xf32, #tpu.memory_space<hbm>>
    tpu.enqueue_indirect_dma source(%dma_start3A_142 : memref<32768x128xf32, #tpu.memory_space<hbm>>) target(%arg9 : memref<128x128xf32, #tpu.memory_space<vmem>>) offsets(%dma_start3A_139 : memref<128xi32, #tpu.memory_space<vmem>>) semaphore(%arg19 : memref<!tpu.dma_semaphore, #tpu.memory_space<semaphore_mem>>)
    %dma_wait3A_143 = arith.constant 4 : i32
    %dma_wait3A_144 = arith.constant 0 : i32
    %dma_wait3A_145 = tpu.memref_slice %arg12[%dma_wait3A_143, %dma_wait3A_144] : memref<8x128xi32, #tpu.memory_space<vmem>> -> memref<1x128xi32, #tpu.memory_space<vmem>>
    %dma_wait3A_146 = tpu.memref_squeeze %dma_wait3A_145 : memref<1x128xi32, #tpu.memory_space<vmem>> -> memref<128xi32, #tpu.memory_space<vmem>>
    %dma_wait3A_147 = arith.constant 0 : i32
    %dma_wait3A_148 = arith.constant 0 : i32
    %dma_wait3A_149 = tpu.memref_slice %arg2[%dma_wait3A_147, %dma_wait3A_148] : memref<32768x128xf32, #tpu.memory_space<hbm>> -> memref<32768x128xf32, #tpu.memory_space<hbm>>
    tpu.wait_indirect_dma semaphore(%arg18 : memref<!tpu.dma_semaphore, #tpu.memory_space<semaphore_mem>>) src(%dma_wait3A_149 : memref<32768x128xf32, #tpu.memory_space<hbm>>) dst(%arg8 : memref<128x128xf32, #tpu.memory_space<vmem>>)
    %dma_start3A_150 = arith.constant 4 : i32
    %dma_start3A_151 = arith.constant 0 : i32
    %dma_start3A_152 = tpu.memref_slice %arg13[%dma_start3A_150, %dma_start3A_151] : memref<8x128xi32, #tpu.memory_space<vmem>> -> memref<1x128xi32, #tpu.memory_space<vmem>>
    %dma_start3A_153 = tpu.memref_squeeze %dma_start3A_152 : memref<1x128xi32, #tpu.memory_space<vmem>> -> memref<128xi32, #tpu.memory_space<vmem>>
    %dma_start3A_154 = arith.constant 0 : i32
    %dma_start3A_155 = arith.constant 0 : i32
    %dma_start3A_156 = tpu.memref_slice %arg17[%dma_start3A_154, %dma_start3A_155] : memref<4096x128xf32, #tpu.memory_space<vmem_shared>> -> memref<4096x128xf32, #tpu.memory_space<vmem_shared>>
    tpu.enqueue_indirect_dma source(%arg8 : memref<128x128xf32, #tpu.memory_space<vmem>>) target(%dma_start3A_156 : memref<4096x128xf32, #tpu.memory_space<vmem_shared>>) offsets(%dma_start3A_153 : memref<128xi32, #tpu.memory_space<vmem>>) semaphore(%arg22 : memref<!tpu.dma_semaphore, #tpu.memory_space<semaphore_mem>>) {add = true}
    %dma_wait3A_157 = arith.constant 2 : i32
    %dma_wait3A_158 = arith.constant 0 : i32
    %dma_wait3A_159 = tpu.memref_slice %arg13[%dma_wait3A_157, %dma_wait3A_158] : memref<8x128xi32, #tpu.memory_space<vmem>> -> memref<1x128xi32, #tpu.memory_space<vmem>>
    %dma_wait3A_160 = tpu.memref_squeeze %dma_wait3A_159 : memref<1x128xi32, #tpu.memory_space<vmem>> -> memref<128xi32, #tpu.memory_space<vmem>>
    %dma_wait3A_161 = arith.constant 0 : i32
    %dma_wait3A_162 = arith.constant 0 : i32
    %dma_wait3A_163 = tpu.memref_slice %arg17[%dma_wait3A_161, %dma_wait3A_162] : memref<4096x128xf32, #tpu.memory_space<vmem_shared>> -> memref<4096x128xf32, #tpu.memory_space<vmem_shared>>
    tpu.wait_indirect_dma semaphore(%arg24 : memref<!tpu.dma_semaphore, #tpu.memory_space<semaphore_mem>>) src(%arg10 : memref<128x128xf32, #tpu.memory_space<vmem>>) dst(%dma_wait3A_163 : memref<4096x128xf32, #tpu.memory_space<vmem_shared>>)
    %dma_start3A_164 = arith.constant 6 : i32
    %dma_start3A_165 = arith.constant 0 : i32
    %dma_start3A_166 = tpu.memref_slice %arg12[%dma_start3A_164, %dma_start3A_165] : memref<8x128xi32, #tpu.memory_space<vmem>> -> memref<1x128xi32, #tpu.memory_space<vmem>>
    %dma_start3A_167 = tpu.memref_squeeze %dma_start3A_166 : memref<1x128xi32, #tpu.memory_space<vmem>> -> memref<128xi32, #tpu.memory_space<vmem>>
    %dma_start3A_168 = arith.constant 0 : i32
    %dma_start3A_169 = arith.constant 0 : i32
    %dma_start3A_170 = tpu.memref_slice %arg2[%dma_start3A_168, %dma_start3A_169] : memref<32768x128xf32, #tpu.memory_space<hbm>> -> memref<32768x128xf32, #tpu.memory_space<hbm>>
    tpu.enqueue_indirect_dma source(%dma_start3A_170 : memref<32768x128xf32, #tpu.memory_space<hbm>>) target(%arg10 : memref<128x128xf32, #tpu.memory_space<vmem>>) offsets(%dma_start3A_167 : memref<128xi32, #tpu.memory_space<vmem>>) semaphore(%arg20 : memref<!tpu.dma_semaphore, #tpu.memory_space<semaphore_mem>>)
    %dma_wait3A_171 = arith.constant 5 : i32
    %dma_wait3A_172 = arith.constant 0 : i32
    %dma_wait3A_173 = tpu.memref_slice %arg12[%dma_wait3A_171, %dma_wait3A_172] : memref<8x128xi32, #tpu.memory_space<vmem>> -> memref<1x128xi32, #tpu.memory_space<vmem>>
    %dma_wait3A_174 = tpu.memref_squeeze %dma_wait3A_173 : memref<1x128xi32, #tpu.memory_space<vmem>> -> memref<128xi32, #tpu.memory_space<vmem>>
    %dma_wait3A_175 = arith.constant 0 : i32
    %dma_wait3A_176 = arith.constant 0 : i32
    %dma_wait3A_177 = tpu.memref_slice %arg2[%dma_wait3A_175, %dma_wait3A_176] : memref<32768x128xf32, #tpu.memory_space<hbm>> -> memref<32768x128xf32, #tpu.memory_space<hbm>>
    tpu.wait_indirect_dma semaphore(%arg19 : memref<!tpu.dma_semaphore, #tpu.memory_space<semaphore_mem>>) src(%dma_wait3A_177 : memref<32768x128xf32, #tpu.memory_space<hbm>>) dst(%arg9 : memref<128x128xf32, #tpu.memory_space<vmem>>)
    %dma_start3A_178 = arith.constant 5 : i32
    %dma_start3A_179 = arith.constant 0 : i32
    %dma_start3A_180 = tpu.memref_slice %arg13[%dma_start3A_178, %dma_start3A_179] : memref<8x128xi32, #tpu.memory_space<vmem>> -> memref<1x128xi32, #tpu.memory_space<vmem>>
    %dma_start3A_181 = tpu.memref_squeeze %dma_start3A_180 : memref<1x128xi32, #tpu.memory_space<vmem>> -> memref<128xi32, #tpu.memory_space<vmem>>
    %dma_start3A_182 = arith.constant 0 : i32
    %dma_start3A_183 = arith.constant 0 : i32
    %dma_start3A_184 = tpu.memref_slice %arg17[%dma_start3A_182, %dma_start3A_183] : memref<4096x128xf32, #tpu.memory_space<vmem_shared>> -> memref<4096x128xf32, #tpu.memory_space<vmem_shared>>
    tpu.enqueue_indirect_dma source(%arg9 : memref<128x128xf32, #tpu.memory_space<vmem>>) target(%dma_start3A_184 : memref<4096x128xf32, #tpu.memory_space<vmem_shared>>) offsets(%dma_start3A_181 : memref<128xi32, #tpu.memory_space<vmem>>) semaphore(%arg23 : memref<!tpu.dma_semaphore, #tpu.memory_space<semaphore_mem>>) {add = true}
    %dma_wait3A_185 = arith.constant 3 : i32
    %dma_wait3A_186 = arith.constant 0 : i32
    %dma_wait3A_187 = tpu.memref_slice %arg13[%dma_wait3A_185, %dma_wait3A_186] : memref<8x128xi32, #tpu.memory_space<vmem>> -> memref<1x128xi32, #tpu.memory_space<vmem>>
    %dma_wait3A_188 = tpu.memref_squeeze %dma_wait3A_187 : memref<1x128xi32, #tpu.memory_space<vmem>> -> memref<128xi32, #tpu.memory_space<vmem>>
    %dma_wait3A_189 = arith.constant 0 : i32
    %dma_wait3A_190 = arith.constant 0 : i32
    %dma_wait3A_191 = tpu.memref_slice %arg17[%dma_wait3A_189, %dma_wait3A_190] : memref<4096x128xf32, #tpu.memory_space<vmem_shared>> -> memref<4096x128xf32, #tpu.memory_space<vmem_shared>>
    tpu.wait_indirect_dma semaphore(%arg25 : memref<!tpu.dma_semaphore, #tpu.memory_space<semaphore_mem>>) src(%arg11 : memref<128x128xf32, #tpu.memory_space<vmem>>) dst(%dma_wait3A_191 : memref<4096x128xf32, #tpu.memory_space<vmem_shared>>)
    %dma_start3A_192 = arith.constant 7 : i32
    %dma_start3A_193 = arith.constant 0 : i32
    %dma_start3A_194 = tpu.memref_slice %arg12[%dma_start3A_192, %dma_start3A_193] : memref<8x128xi32, #tpu.memory_space<vmem>> -> memref<1x128xi32, #tpu.memory_space<vmem>>
    %dma_start3A_195 = tpu.memref_squeeze %dma_start3A_194 : memref<1x128xi32, #tpu.memory_space<vmem>> -> memref<128xi32, #tpu.memory_space<vmem>>
    %dma_start3A_196 = arith.constant 0 : i32
    %dma_start3A_197 = arith.constant 0 : i32
    %dma_start3A_198 = tpu.memref_slice %arg2[%dma_start3A_196, %dma_start3A_197] : memref<32768x128xf32, #tpu.memory_space<hbm>> -> memref<32768x128xf32, #tpu.memory_space<hbm>>
    tpu.enqueue_indirect_dma source(%dma_start3A_198 : memref<32768x128xf32, #tpu.memory_space<hbm>>) target(%arg11 : memref<128x128xf32, #tpu.memory_space<vmem>>) offsets(%dma_start3A_195 : memref<128xi32, #tpu.memory_space<vmem>>) semaphore(%arg21 : memref<!tpu.dma_semaphore, #tpu.memory_space<semaphore_mem>>)
    %dma_wait3A_199 = arith.constant 6 : i32
    %dma_wait3A_200 = arith.constant 0 : i32
    %dma_wait3A_201 = tpu.memref_slice %arg12[%dma_wait3A_199, %dma_wait3A_200] : memref<8x128xi32, #tpu.memory_space<vmem>> -> memref<1x128xi32, #tpu.memory_space<vmem>>
    %dma_wait3A_202 = tpu.memref_squeeze %dma_wait3A_201 : memref<1x128xi32, #tpu.memory_space<vmem>> -> memref<128xi32, #tpu.memory_space<vmem>>
    %dma_wait3A_203 = arith.constant 0 : i32
    %dma_wait3A_204 = arith.constant 0 : i32
    %dma_wait3A_205 = tpu.memref_slice %arg2[%dma_wait3A_203, %dma_wait3A_204] : memref<32768x128xf32, #tpu.memory_space<hbm>> -> memref<32768x128xf32, #tpu.memory_space<hbm>>
    tpu.wait_indirect_dma semaphore(%arg20 : memref<!tpu.dma_semaphore, #tpu.memory_space<semaphore_mem>>) src(%dma_wait3A_205 : memref<32768x128xf32, #tpu.memory_space<hbm>>) dst(%arg10 : memref<128x128xf32, #tpu.memory_space<vmem>>)
    %dma_start3A_206 = arith.constant 6 : i32
    %dma_start3A_207 = arith.constant 0 : i32
    %dma_start3A_208 = tpu.memref_slice %arg13[%dma_start3A_206, %dma_start3A_207] : memref<8x128xi32, #tpu.memory_space<vmem>> -> memref<1x128xi32, #tpu.memory_space<vmem>>
    %dma_start3A_209 = tpu.memref_squeeze %dma_start3A_208 : memref<1x128xi32, #tpu.memory_space<vmem>> -> memref<128xi32, #tpu.memory_space<vmem>>
    %dma_start3A_210 = arith.constant 0 : i32
    %dma_start3A_211 = arith.constant 0 : i32
    %dma_start3A_212 = tpu.memref_slice %arg17[%dma_start3A_210, %dma_start3A_211] : memref<4096x128xf32, #tpu.memory_space<vmem_shared>> -> memref<4096x128xf32, #tpu.memory_space<vmem_shared>>
    tpu.enqueue_indirect_dma source(%arg10 : memref<128x128xf32, #tpu.memory_space<vmem>>) target(%dma_start3A_212 : memref<4096x128xf32, #tpu.memory_space<vmem_shared>>) offsets(%dma_start3A_209 : memref<128xi32, #tpu.memory_space<vmem>>) semaphore(%arg24 : memref<!tpu.dma_semaphore, #tpu.memory_space<semaphore_mem>>) {add = true}
    %dma_wait3A_213 = arith.constant 7 : i32
    %dma_wait3A_214 = arith.constant 0 : i32
    %dma_wait3A_215 = tpu.memref_slice %arg12[%dma_wait3A_213, %dma_wait3A_214] : memref<8x128xi32, #tpu.memory_space<vmem>> -> memref<1x128xi32, #tpu.memory_space<vmem>>
    %dma_wait3A_216 = tpu.memref_squeeze %dma_wait3A_215 : memref<1x128xi32, #tpu.memory_space<vmem>> -> memref<128xi32, #tpu.memory_space<vmem>>
    %dma_wait3A_217 = arith.constant 0 : i32
    %dma_wait3A_218 = arith.constant 0 : i32
    %dma_wait3A_219 = tpu.memref_slice %arg2[%dma_wait3A_217, %dma_wait3A_218] : memref<32768x128xf32, #tpu.memory_space<hbm>> -> memref<32768x128xf32, #tpu.memory_space<hbm>>
    tpu.wait_indirect_dma semaphore(%arg21 : memref<!tpu.dma_semaphore, #tpu.memory_space<semaphore_mem>>) src(%dma_wait3A_219 : memref<32768x128xf32, #tpu.memory_space<hbm>>) dst(%arg11 : memref<128x128xf32, #tpu.memory_space<vmem>>)
    %dma_start3A_220 = arith.constant 7 : i32
    %dma_start3A_221 = arith.constant 0 : i32
    %dma_start3A_222 = tpu.memref_slice %arg13[%dma_start3A_220, %dma_start3A_221] : memref<8x128xi32, #tpu.memory_space<vmem>> -> memref<1x128xi32, #tpu.memory_space<vmem>>
    %dma_start3A_223 = tpu.memref_squeeze %dma_start3A_222 : memref<1x128xi32, #tpu.memory_space<vmem>> -> memref<128xi32, #tpu.memory_space<vmem>>
    %dma_start3A_224 = arith.constant 0 : i32
    %dma_start3A_225 = arith.constant 0 : i32
    %dma_start3A_226 = tpu.memref_slice %arg17[%dma_start3A_224, %dma_start3A_225] : memref<4096x128xf32, #tpu.memory_space<vmem_shared>> -> memref<4096x128xf32, #tpu.memory_space<vmem_shared>>
    tpu.enqueue_indirect_dma source(%arg11 : memref<128x128xf32, #tpu.memory_space<vmem>>) target(%dma_start3A_226 : memref<4096x128xf32, #tpu.memory_space<vmem_shared>>) offsets(%dma_start3A_223 : memref<128xi32, #tpu.memory_space<vmem>>) semaphore(%arg25 : memref<!tpu.dma_semaphore, #tpu.memory_space<semaphore_mem>>) {add = true}
    %dma_wait3A_227 = arith.constant 5 : i32
    %dma_wait3A_228 = arith.constant 0 : i32
    %dma_wait3A_229 = tpu.memref_slice %arg13[%dma_wait3A_227, %dma_wait3A_228] : memref<8x128xi32, #tpu.memory_space<vmem>> -> memref<1x128xi32, #tpu.memory_space<vmem>>
    %dma_wait3A_230 = tpu.memref_squeeze %dma_wait3A_229 : memref<1x128xi32, #tpu.memory_space<vmem>> -> memref<128xi32, #tpu.memory_space<vmem>>
    %dma_wait3A_231 = arith.constant 0 : i32
    %dma_wait3A_232 = arith.constant 0 : i32
    %dma_wait3A_233 = tpu.memref_slice %arg17[%dma_wait3A_231, %dma_wait3A_232] : memref<4096x128xf32, #tpu.memory_space<vmem_shared>> -> memref<4096x128xf32, #tpu.memory_space<vmem_shared>>
    tpu.wait_indirect_dma semaphore(%arg23 : memref<!tpu.dma_semaphore, #tpu.memory_space<semaphore_mem>>) src(%arg9 : memref<128x128xf32, #tpu.memory_space<vmem>>) dst(%dma_wait3A_233 : memref<4096x128xf32, #tpu.memory_space<vmem_shared>>)
    %dma_wait3A_234 = arith.constant 6 : i32
    %dma_wait3A_235 = arith.constant 0 : i32
    %dma_wait3A_236 = tpu.memref_slice %arg13[%dma_wait3A_234, %dma_wait3A_235] : memref<8x128xi32, #tpu.memory_space<vmem>> -> memref<1x128xi32, #tpu.memory_space<vmem>>
    %dma_wait3A_237 = tpu.memref_squeeze %dma_wait3A_236 : memref<1x128xi32, #tpu.memory_space<vmem>> -> memref<128xi32, #tpu.memory_space<vmem>>
    %dma_wait3A_238 = arith.constant 0 : i32
    %dma_wait3A_239 = arith.constant 0 : i32
    %dma_wait3A_240 = tpu.memref_slice %arg17[%dma_wait3A_238, %dma_wait3A_239] : memref<4096x128xf32, #tpu.memory_space<vmem_shared>> -> memref<4096x128xf32, #tpu.memory_space<vmem_shared>>
    tpu.wait_indirect_dma semaphore(%arg24 : memref<!tpu.dma_semaphore, #tpu.memory_space<semaphore_mem>>) src(%arg10 : memref<128x128xf32, #tpu.memory_space<vmem>>) dst(%dma_wait3A_240 : memref<4096x128xf32, #tpu.memory_space<vmem_shared>>)
    %dma_wait3A_241 = arith.constant 7 : i32
    %dma_wait3A_242 = arith.constant 0 : i32
    %dma_wait3A_243 = tpu.memref_slice %arg13[%dma_wait3A_241, %dma_wait3A_242] : memref<8x128xi32, #tpu.memory_space<vmem>> -> memref<1x128xi32, #tpu.memory_space<vmem>>
    %dma_wait3A_244 = tpu.memref_squeeze %dma_wait3A_243 : memref<1x128xi32, #tpu.memory_space<vmem>> -> memref<128xi32, #tpu.memory_space<vmem>>
    %dma_wait3A_245 = arith.constant 0 : i32
    %dma_wait3A_246 = arith.constant 0 : i32
    %dma_wait3A_247 = tpu.memref_slice %arg17[%dma_wait3A_245, %dma_wait3A_246] : memref<4096x128xf32, #tpu.memory_space<vmem_shared>> -> memref<4096x128xf32, #tpu.memory_space<vmem_shared>>
    tpu.wait_indirect_dma semaphore(%arg25 : memref<!tpu.dma_semaphore, #tpu.memory_space<semaphore_mem>>) src(%arg11 : memref<128x128xf32, #tpu.memory_space<vmem>>) dst(%dma_wait3A_247 : memref<4096x128xf32, #tpu.memory_space<vmem_shared>>)
    %barrier3A_248 = arith.constant 0 : index
    tpu.barrier barrier_id(%barrier3A_248)
    "tpu.region"() ({
      %run_scoped3A = tpu.sem_alloc : memref<!tpu.dma_semaphore, #tpu.memory_space<semaphore_mem>>
      %dma_start3A_252 = arith.constant 0 : i32
      %dma_start3A_253 = tpu.memref_slice %arg5[%arg0, %mul3A_41, %dma_start3A_252] : memref<2x4096x128xf32, #tpu.memory_space<hbm>> -> memref<1x256x128xf32, #tpu.memory_space<hbm>>
      %dma_start3A_254 = tpu.memref_squeeze %dma_start3A_253 : memref<1x256x128xf32, #tpu.memory_space<hbm>> -> memref<256x128xf32, #tpu.memory_space<hbm>>
      %dma_start3A_255 = arith.constant 0 : i32
      %dma_start3A_256 = tpu.memref_slice %arg17[%mul3A_41, %dma_start3A_255] : memref<4096x128xf32, #tpu.memory_space<vmem_shared>> -> memref<256x128xf32, #tpu.memory_space<vmem_shared>>
      tpu.enqueue_dma source(%dma_start3A_256 : memref<256x128xf32, #tpu.memory_space<vmem_shared>>) target(%dma_start3A_254 : memref<256x128xf32, #tpu.memory_space<hbm>>) target_semaphore(%run_scoped3A : memref<!tpu.dma_semaphore, #tpu.memory_space<semaphore_mem>>)
      %dma_wait3A_257 = arith.constant 0 : i32
      %dma_wait3A_258 = tpu.memref_slice %arg5[%arg0, %mul3A_41, %dma_wait3A_257] : memref<2x4096x128xf32, #tpu.memory_space<hbm>> -> memref<1x256x128xf32, #tpu.memory_space<hbm>>
      %dma_wait3A_259 = tpu.memref_squeeze %dma_wait3A_258 : memref<1x256x128xf32, #tpu.memory_space<hbm>> -> memref<256x128xf32, #tpu.memory_space<hbm>>
      %dma_wait3A_260 = arith.constant 0 : i32
      %dma_wait3A_261 = tpu.memref_slice %arg17[%mul3A_41, %dma_wait3A_260] : memref<4096x128xf32, #tpu.memory_space<vmem_shared>> -> memref<256x128xf32, #tpu.memory_space<vmem_shared>>
      tpu.wait_dma2 semaphore(%run_scoped3A : memref<!tpu.dma_semaphore, #tpu.memory_space<semaphore_mem>>) src(%dma_wait3A_261 : memref<256x128xf32, #tpu.memory_space<vmem_shared>>) dst(%dma_wait3A_259 : memref<256x128xf32, #tpu.memory_space<hbm>>)
      tpu.yield
    }) : () -> ()
    %mul3A_249 = arith.constant 2 : i32
    %mul3A_250 = arith.muli %arg1, %mul3A_249 : i32
    %add3A_251 = arith.addi %mul3A_250, %arg0 : i32
    "tpu.region"() ({
      %run_scoped3A = tpu.sem_alloc : memref<!tpu.dma_semaphore, #tpu.memory_space<semaphore_mem>>
      %dma_start3A_252 = arith.constant 0 : i32
      %dma_start3A_253 = tpu.memref_slice %arg6[%add3A_251, %dma_start3A_252] : memref<32x4096xf32, #tpu.memory_space<hbm>> -> memref<1x4096xf32, #tpu.memory_space<hbm>>
      %dma_start3A_254 = tpu.memref_squeeze %dma_start3A_253 : memref<1x4096xf32, #tpu.memory_space<hbm>> -> memref<4096xf32, #tpu.memory_space<hbm>>
      %dma_start3A_255 = arith.constant 0 : i32
      %dma_start3A_256 = tpu.memref_slice %arg6[%add3A_251, %dma_start3A_255] : memref<32x4096xf32, #tpu.memory_space<hbm>> -> memref<1x4096xf32, #tpu.memory_space<hbm>>
      %dma_start3A_257 = tpu.memref_squeeze %dma_start3A_256 : memref<1x4096xf32, #tpu.memory_space<hbm>> -> memref<4096xf32, #tpu.memory_space<hbm>>
      tpu.enqueue_dma source(%arg16 : memref<4096xf32, #tpu.memory_space<vmem>>) target(%dma_start3A_257 : memref<4096xf32, #tpu.memory_space<hbm>>) target_semaphore(%run_scoped3A : memref<!tpu.dma_semaphore, #tpu.memory_space<semaphore_mem>>)
      %dma_wait3A_258 = arith.constant 0 : i32
      %dma_wait3A_259 = tpu.memref_slice %arg6[%add3A_251, %dma_wait3A_258] : memref<32x4096xf32, #tpu.memory_space<hbm>> -> memref<1x4096xf32, #tpu.memory_space<hbm>>
      %dma_wait3A_260 = tpu.memref_squeeze %dma_wait3A_259 : memref<1x4096xf32, #tpu.memory_space<hbm>> -> memref<4096xf32, #tpu.memory_space<hbm>>
      %dma_wait3A_261 = arith.constant 0 : i32
      %dma_wait3A_262 = tpu.memref_slice %arg6[%add3A_251, %dma_wait3A_261] : memref<32x4096xf32, #tpu.memory_space<hbm>> -> memref<1x4096xf32, #tpu.memory_space<hbm>>
      %dma_wait3A_263 = tpu.memref_squeeze %dma_wait3A_262 : memref<1x4096xf32, #tpu.memory_space<hbm>> -> memref<4096xf32, #tpu.memory_space<hbm>>
      tpu.wait_dma2 semaphore(%run_scoped3A : memref<!tpu.dma_semaphore, #tpu.memory_space<semaphore_mem>>) src(%arg16 : memref<4096xf32, #tpu.memory_space<vmem>>) dst(%dma_wait3A_263 : memref<4096xf32, #tpu.memory_space<hbm>>)
      tpu.yield
    }) : () -> ()
    return
  }
}

module attributes {stable_mosaic.version = 14 : i64} {
  func.func @_ep_body(%arg0: memref<2x4096x128xf32, #tpu.memory_space<vmem>>, %arg1: memref<1024x128xf32, #tpu.memory_space<vmem>>, %arg2: memref<4x256x256xf32, #tpu.memory_space<vmem>>, %arg3: memref<1x1xf32, #tpu.memory_space<vmem>>) attributes {dimension_semantics = [], scalar_prefetch = 0 : i64, scratch_operands = 0 : i64, tpu.core_type = #tpu.core_type<tc>} {
    %get3A = arith.constant 0 : index
    %get3A_0 = arith.constant 0 : index
    %get3A_1 = arith.constant 0 : index
    %get3A_2 = vector.load %arg0[%get3A, %get3A_0, %get3A_1] : memref<2x4096x128xf32, #tpu.memory_space<vmem>>, vector<1x4096x128xf32>
    %get3A_3 = vector.shape_cast %get3A_2 : vector<1x4096x128xf32> to vector<4096x128xf32>
    %get3A_4 = arith.constant 1 : index
    %get3A_5 = arith.constant 0 : index
    %get3A_6 = arith.constant 0 : index
    %get3A_7 = vector.load %arg0[%get3A_4, %get3A_5, %get3A_6] : memref<2x4096x128xf32, #tpu.memory_space<vmem>>, vector<1x4096x128xf32>
    %get3A_8 = vector.shape_cast %get3A_7 : vector<1x4096x128xf32> to vector<4096x128xf32>
    %concatenate3A = tpu.concatenate %get3A_3, %get3A_8 in 1 : vector<4096x128xf32>, vector<4096x128xf32> -> vector<4096x256xf32>
    %reshape3A = vector.shape_cast %concatenate3A : vector<4096x256xf32> to vector<4x1024x256xf32>
    %get3A_9 = arith.constant 0 : index
    %get3A_10 = arith.constant 0 : index
    %get3A_11 = vector.load %arg1[%get3A_9, %get3A_10] : memref<1024x128xf32, #tpu.memory_space<vmem>>, vector<1024x128xf32>
    %reshape3A_12 = vector.shape_cast %get3A_11 : vector<1024x128xf32> to vector<32x32x128xf32>
    %reduce_sum3A = arith.constant dense<0.000000e+00> : vector<32x128xf32>
    %reduce_sum3A_13 = vector.multi_reduction <add>, %reshape3A_12, %reduce_sum3A [0] : vector<32x32x128xf32> to vector<32x128xf32>
    %reshape3A_14 = vector.shape_cast %reduce_sum3A_13 : vector<32x128xf32> to vector<4x8x128xf32>
    %reshape3A_15 = vector.shape_cast %reshape3A_14 : vector<4x8x128xf32> to vector<4x1024xf32>
    %max3A = arith.constant 1.000000e+00 : f32
    %max3A_16 = vector.broadcast %max3A : f32 to vector<4x1024xf32>
    %max3A_17 = arith.maximumf %reshape3A_15, %max3A_16 : vector<4x1024xf32>
    %broadcast_in_dim3A = vector.shape_cast %max3A_17 : vector<4x1024xf32> to vector<4x1024x1xf32>
    %div3A = vector.broadcast %broadcast_in_dim3A : vector<4x1024x1xf32> to vector<4x1024x256xf32>
    %div3A_18 = arith.divf %reshape3A, %div3A : vector<4x1024x256xf32>
    %gt3A = arith.constant 0.000000e+00 : f32
    %gt3A_19 = vector.broadcast %gt3A : f32 to vector<4x1024xf32>
    %gt3A_20 = arith.cmpf ogt, %reshape3A_15, %gt3A_19 : vector<4x1024xf32>
    %convert_element_type3A = arith.extui %gt3A_20 : vector<4x1024xi1> to vector<4x1024xi32>
    %convert_element_type3A_21 = arith.sitofp %convert_element_type3A : vector<4x1024xi32> to vector<4x1024xf32>
    %mul3A = arith.constant 1.000000e-01 : f32
    %mul3A_22 = vector.broadcast %mul3A : f32 to vector<4x1024x256xf32>
    %mul3A_23 = arith.mulf %mul3A_22, %div3A_18 : vector<4x1024x256xf32>
    %broadcast_in_dim3A_24 = vector.shape_cast %convert_element_type3A_21 : vector<4x1024xf32> to vector<4x1024x1xf32>
    %mul3A_25 = vector.broadcast %broadcast_in_dim3A_24 : vector<4x1024x1xf32> to vector<4x1024x256xf32>
    %mul3A_26 = arith.mulf %mul3A_23, %mul3A_25 : vector<4x1024x256xf32>
    %broadcast_in_dim3A_27 = arith.constant 0.000000e+00 : f32
    %broadcast_in_dim3A_28 = vector.broadcast %broadcast_in_dim3A_27 : f32 to vector<1024x256xf32>
    %mul3A_29 = arith.constant 0.899999976 : f32
    %mul3A_30 = vector.broadcast %mul3A_29 : f32 to vector<1024x256xf32>
    %mul3A_31 = arith.mulf %mul3A_30, %broadcast_in_dim3A_28 : vector<1024x256xf32>
    %slice3A = vector.extract_strided_slice %div3A_18 {offsets = [0, 0, 0], sizes = [1, 1024, 256], strides = [1, 1, 1]} : vector<4x1024x256xf32> to vector<1x1024x256xf32>
    %squeeze3A = vector.shape_cast %slice3A : vector<1x1024x256xf32> to vector<1024x256xf32>
    %mul3A_32 = arith.constant 1.000000e-01 : f32
    %mul3A_33 = vector.broadcast %mul3A_32 : f32 to vector<1024x256xf32>
    %mul3A_34 = arith.mulf %mul3A_33, %squeeze3A : vector<1024x256xf32>
    %add3A = arith.addf %mul3A_31, %mul3A_34 : vector<1024x256xf32>
    %slice3A_35 = vector.extract_strided_slice %convert_element_type3A_21 {offsets = [0, 0], sizes = [1, 1024], strides = [1, 1]} : vector<4x1024xf32> to vector<1x1024xf32>
    %squeeze3A_36 = vector.shape_cast %slice3A_35 : vector<1x1024xf32> to vector<1024xf32>
    %broadcast_in_dim3A_37 = vector.shape_cast %squeeze3A_36 : vector<1024xf32> to vector<1024x1xf32>
    %mul3A_38 = vector.broadcast %broadcast_in_dim3A_37 : vector<1024x1xf32> to vector<1024x256xf32>
    %mul3A_39 = arith.mulf %mul3A_38, %add3A : vector<1024x256xf32>
    %sub3A = arith.constant 1.000000e+00 : f32
    %sub3A_40 = vector.broadcast %sub3A : f32 to vector<1024x1xf32>
    %sub3A_41 = arith.subf %sub3A_40, %broadcast_in_dim3A_37 : vector<1024x1xf32>
    %mul3A_42 = vector.broadcast %sub3A_41 : vector<1024x1xf32> to vector<1024x256xf32>
    %mul3A_43 = arith.mulf %mul3A_42, %broadcast_in_dim3A_28 : vector<1024x256xf32>
    %add3A_44 = arith.addf %mul3A_39, %mul3A_43 : vector<1024x256xf32>
    %mul3A_45 = arith.constant 0.899999976 : f32
    %mul3A_46 = vector.broadcast %mul3A_45 : f32 to vector<1024x256xf32>
    %mul3A_47 = arith.mulf %mul3A_46, %add3A_44 : vector<1024x256xf32>
    %slice3A_48 = vector.extract_strided_slice %div3A_18 {offsets = [1, 0, 0], sizes = [1, 1024, 256], strides = [1, 1, 1]} : vector<4x1024x256xf32> to vector<1x1024x256xf32>
    %squeeze3A_49 = vector.shape_cast %slice3A_48 : vector<1x1024x256xf32> to vector<1024x256xf32>
    %mul3A_50 = arith.constant 1.000000e-01 : f32
    %mul3A_51 = vector.broadcast %mul3A_50 : f32 to vector<1024x256xf32>
    %mul3A_52 = arith.mulf %mul3A_51, %squeeze3A_49 : vector<1024x256xf32>
    %add3A_53 = arith.addf %mul3A_47, %mul3A_52 : vector<1024x256xf32>
    %slice3A_54 = vector.extract_strided_slice %convert_element_type3A_21 {offsets = [1, 0], sizes = [1, 1024], strides = [1, 1]} : vector<4x1024xf32> to vector<1x1024xf32>
    %squeeze3A_55 = vector.shape_cast %slice3A_54 : vector<1x1024xf32> to vector<1024xf32>
    %broadcast_in_dim3A_56 = vector.shape_cast %squeeze3A_55 : vector<1024xf32> to vector<1024x1xf32>
    %mul3A_57 = vector.broadcast %broadcast_in_dim3A_56 : vector<1024x1xf32> to vector<1024x256xf32>
    %mul3A_58 = arith.mulf %mul3A_57, %add3A_53 : vector<1024x256xf32>
    %sub3A_59 = arith.constant 1.000000e+00 : f32
    %sub3A_60 = vector.broadcast %sub3A_59 : f32 to vector<1024x1xf32>
    %sub3A_61 = arith.subf %sub3A_60, %broadcast_in_dim3A_56 : vector<1024x1xf32>
    %mul3A_62 = vector.broadcast %sub3A_61 : vector<1024x1xf32> to vector<1024x256xf32>
    %mul3A_63 = arith.mulf %mul3A_62, %add3A_44 : vector<1024x256xf32>
    %add3A_64 = arith.addf %mul3A_58, %mul3A_63 : vector<1024x256xf32>
    %mul3A_65 = arith.constant 0.899999976 : f32
    %mul3A_66 = vector.broadcast %mul3A_65 : f32 to vector<1024x256xf32>
    %mul3A_67 = arith.mulf %mul3A_66, %add3A_64 : vector<1024x256xf32>
    %slice3A_68 = vector.extract_strided_slice %div3A_18 {offsets = [2, 0, 0], sizes = [1, 1024, 256], strides = [1, 1, 1]} : vector<4x1024x256xf32> to vector<1x1024x256xf32>
    %squeeze3A_69 = vector.shape_cast %slice3A_68 : vector<1x1024x256xf32> to vector<1024x256xf32>
    %mul3A_70 = arith.constant 1.000000e-01 : f32
    %mul3A_71 = vector.broadcast %mul3A_70 : f32 to vector<1024x256xf32>
    %mul3A_72 = arith.mulf %mul3A_71, %squeeze3A_69 : vector<1024x256xf32>
    %add3A_73 = arith.addf %mul3A_67, %mul3A_72 : vector<1024x256xf32>
    %slice3A_74 = vector.extract_strided_slice %convert_element_type3A_21 {offsets = [2, 0], sizes = [1, 1024], strides = [1, 1]} : vector<4x1024xf32> to vector<1x1024xf32>
    %squeeze3A_75 = vector.shape_cast %slice3A_74 : vector<1x1024xf32> to vector<1024xf32>
    %broadcast_in_dim3A_76 = vector.shape_cast %squeeze3A_75 : vector<1024xf32> to vector<1024x1xf32>
    %mul3A_77 = vector.broadcast %broadcast_in_dim3A_76 : vector<1024x1xf32> to vector<1024x256xf32>
    %mul3A_78 = arith.mulf %mul3A_77, %add3A_73 : vector<1024x256xf32>
    %sub3A_79 = arith.constant 1.000000e+00 : f32
    %sub3A_80 = vector.broadcast %sub3A_79 : f32 to vector<1024x1xf32>
    %sub3A_81 = arith.subf %sub3A_80, %broadcast_in_dim3A_76 : vector<1024x1xf32>
    %mul3A_82 = vector.broadcast %sub3A_81 : vector<1024x1xf32> to vector<1024x256xf32>
    %mul3A_83 = arith.mulf %mul3A_82, %add3A_64 : vector<1024x256xf32>
    %add3A_84 = arith.addf %mul3A_78, %mul3A_83 : vector<1024x256xf32>
    %mul3A_85 = arith.constant 0.899999976 : f32
    %mul3A_86 = vector.broadcast %mul3A_85 : f32 to vector<1024x256xf32>
    %mul3A_87 = arith.mulf %mul3A_86, %add3A_84 : vector<1024x256xf32>
    %slice3A_88 = vector.extract_strided_slice %div3A_18 {offsets = [3, 0, 0], sizes = [1, 1024, 256], strides = [1, 1, 1]} : vector<4x1024x256xf32> to vector<1x1024x256xf32>
    %squeeze3A_89 = vector.shape_cast %slice3A_88 : vector<1x1024x256xf32> to vector<1024x256xf32>
    %mul3A_90 = arith.constant 1.000000e-01 : f32
    %mul3A_91 = vector.broadcast %mul3A_90 : f32 to vector<1024x256xf32>
    %mul3A_92 = arith.mulf %mul3A_91, %squeeze3A_89 : vector<1024x256xf32>
    %add3A_93 = arith.addf %mul3A_87, %mul3A_92 : vector<1024x256xf32>
    %slice3A_94 = vector.extract_strided_slice %convert_element_type3A_21 {offsets = [3, 0], sizes = [1, 1024], strides = [1, 1]} : vector<4x1024xf32> to vector<1x1024xf32>
    %squeeze3A_95 = vector.shape_cast %slice3A_94 : vector<1x1024xf32> to vector<1024xf32>
    %broadcast_in_dim3A_96 = vector.shape_cast %squeeze3A_95 : vector<1024xf32> to vector<1024x1xf32>
    %mul3A_97 = vector.broadcast %broadcast_in_dim3A_96 : vector<1024x1xf32> to vector<1024x256xf32>
    %mul3A_98 = arith.mulf %mul3A_97, %add3A_93 : vector<1024x256xf32>
    %sub3A_99 = arith.constant 1.000000e+00 : f32
    %sub3A_100 = vector.broadcast %sub3A_99 : f32 to vector<1024x1xf32>
    %sub3A_101 = arith.subf %sub3A_100, %broadcast_in_dim3A_96 : vector<1024x1xf32>
    %mul3A_102 = vector.broadcast %sub3A_101 : vector<1024x1xf32> to vector<1024x256xf32>
    %mul3A_103 = arith.mulf %mul3A_102, %add3A_84 : vector<1024x256xf32>
    %add3A_104 = arith.addf %mul3A_98, %mul3A_103 : vector<1024x256xf32>
    %broadcast_in_dim3A_105 = vector.shape_cast %add3A_104 : vector<1024x256xf32> to vector<1x1024x256xf32>
    %sub3A_106 = vector.broadcast %broadcast_in_dim3A_105 : vector<1x1024x256xf32> to vector<4x1024x256xf32>
    %sub3A_107 = arith.subf %mul3A_26, %sub3A_106 : vector<4x1024x256xf32>
    %integer_pow3A = arith.mulf %sub3A_107, %sub3A_107 : vector<4x1024x256xf32>
    %reduce_sum3A_108 = arith.constant dense<0.000000e+00> : vector<4x1024xf32>
    %reduce_sum3A_109 = vector.multi_reduction <add>, %integer_pow3A, %reduce_sum3A_108 [2] : vector<4x1024x256xf32> to vector<4x1024xf32>
    %div3A_110 = arith.constant 2.560000e+02 : f32
    %div3A_111 = vector.broadcast %div3A_110 : f32 to vector<4x1024xf32>
    %div3A_112 = arith.divf %reduce_sum3A_109, %div3A_111 : vector<4x1024xf32>
    %reduce_sum3A_113 = vector.shape_cast %convert_element_type3A_21 : vector<4x1024xf32> to vector<1x4x1024xf32>
    %reduce_sum3A_114 = arith.constant dense<0.000000e+00> : vector<1xf32>
    %reduce_sum3A_115 = vector.multi_reduction <add>, %reduce_sum3A_113, %reduce_sum3A_114 [1, 2] : vector<1x4x1024xf32> to vector<1xf32>
    %reduce_sum3A_116 = vector.shape_cast %reduce_sum3A_115 : vector<1xf32> to vector<1x1x1xf32>
    %reduce_sum3A_117 = vector.extract %reduce_sum3A_116[0, 0, 0] : f32 from vector<1x1x1xf32>
    %gt3A_118 = arith.constant 0.000000e+00 : f32
    %gt3A_119 = arith.cmpf ogt, %reduce_sum3A_117, %gt3A_118 : f32
    %mul3A_120 = arith.mulf %div3A_112, %convert_element_type3A_21 : vector<4x1024xf32>
    %reduce_sum3A_121 = vector.shape_cast %mul3A_120 : vector<4x1024xf32> to vector<1x4x1024xf32>
    %reduce_sum3A_122 = arith.constant dense<0.000000e+00> : vector<1xf32>
    %reduce_sum3A_123 = vector.multi_reduction <add>, %reduce_sum3A_121, %reduce_sum3A_122 [1, 2] : vector<1x4x1024xf32> to vector<1xf32>
    %reduce_sum3A_124 = vector.shape_cast %reduce_sum3A_123 : vector<1xf32> to vector<1x1x1xf32>
    %reduce_sum3A_125 = vector.extract %reduce_sum3A_124[0, 0, 0] : f32 from vector<1x1x1xf32>
    %max3A_126 = arith.constant 1.000000e+00 : f32
    %max3A_127 = arith.maximumf %reduce_sum3A_117, %max3A_126 : f32
    %div3A_128 = arith.divf %reduce_sum3A_125, %max3A_127 : f32
    %jit3A = arith.constant 0.000000e+00 : f32
    %select_n3A = arith.select %gt3A_119, %div3A_128, %jit3A : f32
    %get3A_129 = arith.constant 0 : index
    %get3A_130 = arith.constant 0 : index
    %get3A_131 = arith.constant 0 : index
    %get3A_132 = vector.load %arg2[%get3A_129, %get3A_130, %get3A_131] : memref<4x256x256xf32, #tpu.memory_space<vmem>>, vector<4x256x256xf32>
    %slice3A_133 = vector.extract_strided_slice %get3A_132 {offsets = [0, 0, 0], sizes = [1, 256, 256], strides = [1, 1, 1]} : vector<4x256x256xf32> to vector<1x256x256xf32>
    %squeeze3A_134 = vector.shape_cast %slice3A_133 : vector<1x256x256xf32> to vector<256x256xf32>
    %slice3A_135 = vector.extract_strided_slice %get3A_132 {offsets = [1, 0, 0], sizes = [1, 256, 256], strides = [1, 1, 1]} : vector<4x256x256xf32> to vector<1x256x256xf32>
    %squeeze3A_136 = vector.shape_cast %slice3A_135 : vector<1x256x256xf32> to vector<256x256xf32>
    %mul3A_137 = arith.constant -1.000000e+00 : f32
    %mul3A_138 = vector.broadcast %mul3A_137 : f32 to vector<256x256xf32>
    %mul3A_139 = arith.mulf %mul3A_138, %squeeze3A_136 : vector<256x256xf32>
    %add3A_140 = arith.addf %squeeze3A_134, %mul3A_139 : vector<256x256xf32>
    %slice3A_141 = vector.extract_strided_slice %get3A_132 {offsets = [2, 0, 0], sizes = [1, 256, 256], strides = [1, 1, 1]} : vector<4x256x256xf32> to vector<1x256x256xf32>
    %squeeze3A_142 = vector.shape_cast %slice3A_141 : vector<1x256x256xf32> to vector<256x256xf32>
    %mul3A_143 = arith.constant -1.000000e+00 : f32
    %mul3A_144 = vector.broadcast %mul3A_143 : f32 to vector<256x256xf32>
    %mul3A_145 = arith.mulf %mul3A_144, %squeeze3A_142 : vector<256x256xf32>
    %add3A_146 = arith.addf %add3A_140, %mul3A_145 : vector<256x256xf32>
    %slice3A_147 = vector.extract_strided_slice %get3A_132 {offsets = [3, 0, 0], sizes = [1, 256, 256], strides = [1, 1, 1]} : vector<4x256x256xf32> to vector<1x256x256xf32>
    %squeeze3A_148 = vector.shape_cast %slice3A_147 : vector<1x256x256xf32> to vector<256x256xf32>
    %mul3A_149 = arith.constant 1.000000e+00 : f32
    %mul3A_150 = vector.broadcast %mul3A_149 : f32 to vector<256x256xf32>
    %mul3A_151 = arith.mulf %mul3A_150, %squeeze3A_148 : vector<256x256xf32>
    %add3A_152 = arith.addf %add3A_146, %mul3A_151 : vector<256x256xf32>
    %mul3A_153 = arith.constant 2.500000e-01 : f32
    %mul3A_154 = vector.broadcast %mul3A_153 : f32 to vector<256x256xf32>
    %mul3A_155 = arith.mulf %add3A_152, %mul3A_154 : vector<256x256xf32>
    %slice3A_156 = vector.extract_strided_slice %get3A_132 {offsets = [0, 0, 0], sizes = [1, 256, 256], strides = [1, 1, 1]} : vector<4x256x256xf32> to vector<1x256x256xf32>
    %squeeze3A_157 = vector.shape_cast %slice3A_156 : vector<1x256x256xf32> to vector<256x256xf32>
    %slice3A_158 = vector.extract_strided_slice %get3A_132 {offsets = [1, 0, 0], sizes = [1, 256, 256], strides = [1, 1, 1]} : vector<4x256x256xf32> to vector<1x256x256xf32>
    %squeeze3A_159 = vector.shape_cast %slice3A_158 : vector<1x256x256xf32> to vector<256x256xf32>
    %mul3A_160 = arith.constant 1.000000e+00 : f32
    %mul3A_161 = vector.broadcast %mul3A_160 : f32 to vector<256x256xf32>
    %mul3A_162 = arith.mulf %mul3A_161, %squeeze3A_159 : vector<256x256xf32>
    %add3A_163 = arith.addf %squeeze3A_157, %mul3A_162 : vector<256x256xf32>
    %slice3A_164 = vector.extract_strided_slice %get3A_132 {offsets = [2, 0, 0], sizes = [1, 256, 256], strides = [1, 1, 1]} : vector<4x256x256xf32> to vector<1x256x256xf32>
    %squeeze3A_165 = vector.shape_cast %slice3A_164 : vector<1x256x256xf32> to vector<256x256xf32>
    %mul3A_166 = arith.constant -1.000000e+00 : f32
    %mul3A_167 = vector.broadcast %mul3A_166 : f32 to vector<256x256xf32>
    %mul3A_168 = arith.mulf %mul3A_167, %squeeze3A_165 : vector<256x256xf32>
    %add3A_169 = arith.addf %add3A_163, %mul3A_168 : vector<256x256xf32>
    %slice3A_170 = vector.extract_strided_slice %get3A_132 {offsets = [3, 0, 0], sizes = [1, 256, 256], strides = [1, 1, 1]} : vector<4x256x256xf32> to vector<1x256x256xf32>
    %squeeze3A_171 = vector.shape_cast %slice3A_170 : vector<1x256x256xf32> to vector<256x256xf32>
    %mul3A_172 = arith.constant -1.000000e+00 : f32
    %mul3A_173 = vector.broadcast %mul3A_172 : f32 to vector<256x256xf32>
    %mul3A_174 = arith.mulf %mul3A_173, %squeeze3A_171 : vector<256x256xf32>
    %add3A_175 = arith.addf %add3A_169, %mul3A_174 : vector<256x256xf32>
    %mul3A_176 = arith.constant 2.500000e-01 : f32
    %mul3A_177 = vector.broadcast %mul3A_176 : f32 to vector<256x256xf32>
    %mul3A_178 = arith.mulf %add3A_175, %mul3A_177 : vector<256x256xf32>
    %slice3A_179 = vector.extract_strided_slice %get3A_132 {offsets = [0, 0, 0], sizes = [1, 256, 256], strides = [1, 1, 1]} : vector<4x256x256xf32> to vector<1x256x256xf32>
    %squeeze3A_180 = vector.shape_cast %slice3A_179 : vector<1x256x256xf32> to vector<256x256xf32>
    %slice3A_181 = vector.extract_strided_slice %get3A_132 {offsets = [1, 0, 0], sizes = [1, 256, 256], strides = [1, 1, 1]} : vector<4x256x256xf32> to vector<1x256x256xf32>
    %squeeze3A_182 = vector.shape_cast %slice3A_181 : vector<1x256x256xf32> to vector<256x256xf32>
    %mul3A_183 = arith.constant -1.000000e+00 : f32
    %mul3A_184 = vector.broadcast %mul3A_183 : f32 to vector<256x256xf32>
    %mul3A_185 = arith.mulf %mul3A_184, %squeeze3A_182 : vector<256x256xf32>
    %add3A_186 = arith.addf %squeeze3A_180, %mul3A_185 : vector<256x256xf32>
    %slice3A_187 = vector.extract_strided_slice %get3A_132 {offsets = [2, 0, 0], sizes = [1, 256, 256], strides = [1, 1, 1]} : vector<4x256x256xf32> to vector<1x256x256xf32>
    %squeeze3A_188 = vector.shape_cast %slice3A_187 : vector<1x256x256xf32> to vector<256x256xf32>
    %mul3A_189 = arith.constant 1.000000e+00 : f32
    %mul3A_190 = vector.broadcast %mul3A_189 : f32 to vector<256x256xf32>
    %mul3A_191 = arith.mulf %mul3A_190, %squeeze3A_188 : vector<256x256xf32>
    %add3A_192 = arith.addf %add3A_186, %mul3A_191 : vector<256x256xf32>
    %slice3A_193 = vector.extract_strided_slice %get3A_132 {offsets = [3, 0, 0], sizes = [1, 256, 256], strides = [1, 1, 1]} : vector<4x256x256xf32> to vector<1x256x256xf32>
    %squeeze3A_194 = vector.shape_cast %slice3A_193 : vector<1x256x256xf32> to vector<256x256xf32>
    %mul3A_195 = arith.constant -1.000000e+00 : f32
    %mul3A_196 = vector.broadcast %mul3A_195 : f32 to vector<256x256xf32>
    %mul3A_197 = arith.mulf %mul3A_196, %squeeze3A_194 : vector<256x256xf32>
    %add3A_198 = arith.addf %add3A_192, %mul3A_197 : vector<256x256xf32>
    %mul3A_199 = arith.constant 2.500000e-01 : f32
    %mul3A_200 = vector.broadcast %mul3A_199 : f32 to vector<256x256xf32>
    %mul3A_201 = arith.mulf %add3A_198, %mul3A_200 : vector<256x256xf32>
    %slice3A_202 = vector.extract_strided_slice %get3A_132 {offsets = [0, 0, 0], sizes = [1, 256, 256], strides = [1, 1, 1]} : vector<4x256x256xf32> to vector<1x256x256xf32>
    %squeeze3A_203 = vector.shape_cast %slice3A_202 : vector<1x256x256xf32> to vector<256x256xf32>
    %slice3A_204 = vector.extract_strided_slice %get3A_132 {offsets = [1, 0, 0], sizes = [1, 256, 256], strides = [1, 1, 1]} : vector<4x256x256xf32> to vector<1x256x256xf32>
    %squeeze3A_205 = vector.shape_cast %slice3A_204 : vector<1x256x256xf32> to vector<256x256xf32>
    %mul3A_206 = arith.constant 1.000000e+00 : f32
    %mul3A_207 = vector.broadcast %mul3A_206 : f32 to vector<256x256xf32>
    %mul3A_208 = arith.mulf %mul3A_207, %squeeze3A_205 : vector<256x256xf32>
    %add3A_209 = arith.addf %squeeze3A_203, %mul3A_208 : vector<256x256xf32>
    %slice3A_210 = vector.extract_strided_slice %get3A_132 {offsets = [2, 0, 0], sizes = [1, 256, 256], strides = [1, 1, 1]} : vector<4x256x256xf32> to vector<1x256x256xf32>
    %squeeze3A_211 = vector.shape_cast %slice3A_210 : vector<1x256x256xf32> to vector<256x256xf32>
    %mul3A_212 = arith.constant 1.000000e+00 : f32
    %mul3A_213 = vector.broadcast %mul3A_212 : f32 to vector<256x256xf32>
    %mul3A_214 = arith.mulf %mul3A_213, %squeeze3A_211 : vector<256x256xf32>
    %add3A_215 = arith.addf %add3A_209, %mul3A_214 : vector<256x256xf32>
    %slice3A_216 = vector.extract_strided_slice %get3A_132 {offsets = [3, 0, 0], sizes = [1, 256, 256], strides = [1, 1, 1]} : vector<4x256x256xf32> to vector<1x256x256xf32>
    %squeeze3A_217 = vector.shape_cast %slice3A_216 : vector<1x256x256xf32> to vector<256x256xf32>
    %mul3A_218 = arith.constant 1.000000e+00 : f32
    %mul3A_219 = vector.broadcast %mul3A_218 : f32 to vector<256x256xf32>
    %mul3A_220 = arith.mulf %mul3A_219, %squeeze3A_217 : vector<256x256xf32>
    %add3A_221 = arith.addf %add3A_215, %mul3A_220 : vector<256x256xf32>
    %mul3A_222 = arith.constant 2.500000e-01 : f32
    %mul3A_223 = vector.broadcast %mul3A_222 : f32 to vector<256x256xf32>
    %mul3A_224 = arith.mulf %add3A_221, %mul3A_223 : vector<256x256xf32>
    %slice3A_225 = vector.extract_strided_slice %get3A_132 {offsets = [0, 0, 0], sizes = [1, 256, 256], strides = [1, 1, 1]} : vector<4x256x256xf32> to vector<1x256x256xf32>
    %squeeze3A_226 = vector.shape_cast %slice3A_225 : vector<1x256x256xf32> to vector<256x256xf32>
    %reduce_sum3A_227 = arith.constant dense<0.000000e+00> : vector<256xf32>
    %reduce_sum3A_228 = vector.multi_reduction <add>, %reshape3A, %reduce_sum3A_227 [0, 1] : vector<4x1024x256xf32> to vector<256xf32>
    %reshape3A_229 = vector.shape_cast %reduce_sum3A_228 : vector<256xf32> to vector<1x256xf32>
    %div3A_230 = arith.constant 1.638400e+04 : f32
    %div3A_231 = vector.broadcast %div3A_230 : f32 to vector<1x256xf32>
    %div3A_232 = arith.divf %reshape3A_229, %div3A_231 : vector<1x256xf32>
    %dot_general3A = arith.constant dense<0.000000e+00> : vector<256x256xf32>
    %dot_general3A_233 = tpu.matmul %div3A_232, %div3A_232, %dot_general3A {dimension_numbers = #tpu.dot_dimension_numbers<[0], [0], [1], [1], [0, 1, 1, 1], [], []>, transpose_lhs_hint = false} : vector<1x256xf32>, vector<1x256xf32>, vector<256x256xf32> -> vector<256x256xf32>
    %mul3A_234 = arith.constant 1.638400e+04 : f32
    %mul3A_235 = vector.broadcast %mul3A_234 : f32 to vector<256x256xf32>
    %mul3A_236 = arith.mulf %mul3A_235, %dot_general3A_233 : vector<256x256xf32>
    %sub3A_237 = arith.subf %squeeze3A_226, %mul3A_236 : vector<256x256xf32>
    %div3A_238 = arith.constant 1.638400e+04 : f32
    %div3A_239 = vector.broadcast %div3A_238 : f32 to vector<256x256xf32>
    %div3A_240 = arith.divf %sub3A_237, %div3A_239 : vector<256x256xf32>
    %iota3A = tpu.iota {dimensions = array<i32: 0>} : vector<256x256xi32>
    %iota3A_241 = tpu.iota {dimensions = array<i32: 1>} : vector<256x256xi32>
    %eq3A = arith.cmpi eq, %iota3A, %iota3A_241 : vector<256x256xi32>
    %convert_element_type3A_242 = arith.extui %eq3A : vector<256x256xi1> to vector<256x256xi32>
    %convert_element_type3A_243 = arith.sitofp %convert_element_type3A_242 : vector<256x256xi32> to vector<256x256xf32>
    %mul3A_244 = arith.constant 1.000000e-01 : f32
    %mul3A_245 = vector.broadcast %mul3A_244 : f32 to vector<1x256xf32>
    %mul3A_246 = arith.mulf %mul3A_245, %div3A_232 : vector<1x256xf32>
    %mul3A_247 = arith.constant 0.899999976 : f32
    %mul3A_248 = vector.broadcast %mul3A_247 : f32 to vector<256x256xf32>
    %mul3A_249 = arith.mulf %mul3A_248, %convert_element_type3A_243 : vector<256x256xf32>
    %mul3A_250 = arith.constant 1.000000e-01 : f32
    %mul3A_251 = vector.broadcast %mul3A_250 : f32 to vector<256x256xf32>
    %mul3A_252 = arith.mulf %mul3A_251, %div3A_240 : vector<256x256xf32>
    %add3A_253 = arith.addf %mul3A_249, %mul3A_252 : vector<256x256xf32>
    %slice3A_254 = vector.extract_strided_slice %reshape3A_15 {offsets = [0, 0], sizes = [1, 1024], strides = [1, 1]} : vector<4x1024xf32> to vector<1x1024xf32>
    %squeeze3A_255 = vector.shape_cast %slice3A_254 : vector<1x1024xf32> to vector<1024xf32>
    %reduce_sum3A_256 = vector.shape_cast %squeeze3A_255 : vector<1024xf32> to vector<1x1024xf32>
    %reduce_sum3A_257 = arith.constant dense<0.000000e+00> : vector<1xf32>
    %reduce_sum3A_258 = vector.multi_reduction <add>, %reduce_sum3A_256, %reduce_sum3A_257 [1] : vector<1x1024xf32> to vector<1xf32>
    %reduce_sum3A_259 = vector.shape_cast %reduce_sum3A_258 : vector<1xf32> to vector<1x1xf32>
    %reduce_sum3A_260 = vector.extract %reduce_sum3A_259[0, 0] : f32 from vector<1x1xf32>
    %slice3A_261 = vector.extract_strided_slice %reshape3A {offsets = [0, 0, 0], sizes = [1, 1024, 256], strides = [1, 1, 1]} : vector<4x1024x256xf32> to vector<1x1024x256xf32>
    %squeeze3A_262 = vector.shape_cast %slice3A_261 : vector<1x1024x256xf32> to vector<1024x256xf32>
    %reduce_sum3A_263 = arith.constant dense<0.000000e+00> : vector<256xf32>
    %reduce_sum3A_264 = vector.multi_reduction <add>, %squeeze3A_262, %reduce_sum3A_263 [0] : vector<1024x256xf32> to vector<256xf32>
    %reshape3A_265 = vector.shape_cast %reduce_sum3A_264 : vector<256xf32> to vector<1x256xf32>
    %max3A_266 = arith.constant 1.000000e+00 : f32
    %max3A_267 = arith.maximumf %reduce_sum3A_260, %max3A_266 : f32
    %div3A_268 = vector.broadcast %max3A_267 : f32 to vector<1x256xf32>
    %div3A_269 = arith.divf %reshape3A_265, %div3A_268 : vector<1x256xf32>
    %dot_general3A_270 = arith.constant dense<0.000000e+00> : vector<256x256xf32>
    %dot_general3A_271 = tpu.matmul %div3A_269, %div3A_269, %dot_general3A_270 {dimension_numbers = #tpu.dot_dimension_numbers<[0], [0], [1], [1], [0, 1, 1, 1], [], []>, transpose_lhs_hint = false} : vector<1x256xf32>, vector<1x256xf32>, vector<256x256xf32> -> vector<256x256xf32>
    %mul3A_272 = vector.broadcast %reduce_sum3A_260 : f32 to vector<256x256xf32>
    %mul3A_273 = arith.mulf %mul3A_272, %dot_general3A_271 : vector<256x256xf32>
    %sub3A_274 = arith.subf %mul3A_155, %mul3A_273 : vector<256x256xf32>
    %add3A_275 = arith.constant 9.99999997E-7 : f32
    %add3A_276 = arith.addf %reduce_sum3A_260, %add3A_275 : f32
    %div3A_277 = vector.broadcast %add3A_276 : f32 to vector<256x256xf32>
    %div3A_278 = arith.divf %sub3A_274, %div3A_277 : vector<256x256xf32>
    %sub3A_279 = arith.subf %div3A_269, %mul3A_246 : vector<1x256xf32>
    %integer_pow3A_280 = arith.mulf %sub3A_279, %sub3A_279 : vector<1x256xf32>
    %reduce_sum3A_281 = vector.shape_cast %integer_pow3A_280 : vector<1x256xf32> to vector<1x1x256xf32>
    %reduce_sum3A_282 = arith.constant dense<0.000000e+00> : vector<1xf32>
    %reduce_sum3A_283 = vector.multi_reduction <add>, %reduce_sum3A_281, %reduce_sum3A_282 [1, 2] : vector<1x1x256xf32> to vector<1xf32>
    %reduce_sum3A_284 = vector.shape_cast %reduce_sum3A_283 : vector<1xf32> to vector<1x1x1xf32>
    %reduce_sum3A_285 = vector.extract %reduce_sum3A_284[0, 0, 0] : f32 from vector<1x1x1xf32>
    %div3A_286 = arith.constant 2.560000e+02 : f32
    %div3A_287 = arith.divf %reduce_sum3A_285, %div3A_286 : f32
    %sub3A_288 = arith.subf %div3A_278, %add3A_253 : vector<256x256xf32>
    %integer_pow3A_289 = arith.mulf %sub3A_288, %sub3A_288 : vector<256x256xf32>
    %reduce_sum3A_290 = vector.shape_cast %integer_pow3A_289 : vector<256x256xf32> to vector<1x256x256xf32>
    %reduce_sum3A_291 = arith.constant dense<0.000000e+00> : vector<1xf32>
    %reduce_sum3A_292 = vector.multi_reduction <add>, %reduce_sum3A_290, %reduce_sum3A_291 [1, 2] : vector<1x256x256xf32> to vector<1xf32>
    %reduce_sum3A_293 = vector.shape_cast %reduce_sum3A_292 : vector<1xf32> to vector<1x1x1xf32>
    %reduce_sum3A_294 = vector.extract %reduce_sum3A_293[0, 0, 0] : f32 from vector<1x1x1xf32>
    %div3A_295 = arith.constant 6.553600e+04 : f32
    %div3A_296 = arith.divf %reduce_sum3A_294, %div3A_295 : f32
    %add3A_297 = arith.addf %div3A_287, %div3A_296 : f32
    %gt3A_298 = arith.constant 0.000000e+00 : f32
    %gt3A_299 = arith.cmpf ogt, %reduce_sum3A_260, %gt3A_298 : f32
    %convert_element_type3A_300 = arith.extui %gt3A_299 : i1 to i32
    %convert_element_type3A_301 = arith.sitofp %convert_element_type3A_300 : i32 to f32
    %mul3A_302 = arith.mulf %convert_element_type3A_301, %add3A_297 : f32
    %add3A_303 = arith.constant 0.000000e+00 : f32
    %add3A_304 = arith.addf %add3A_303, %mul3A_302 : f32
    %add3A_305 = arith.constant 0.000000e+00 : f32
    %add3A_306 = arith.addf %add3A_305, %convert_element_type3A_301 : f32
    %slice3A_307 = vector.extract_strided_slice %reshape3A_15 {offsets = [1, 0], sizes = [1, 1024], strides = [1, 1]} : vector<4x1024xf32> to vector<1x1024xf32>
    %squeeze3A_308 = vector.shape_cast %slice3A_307 : vector<1x1024xf32> to vector<1024xf32>
    %reduce_sum3A_309 = vector.shape_cast %squeeze3A_308 : vector<1024xf32> to vector<1x1024xf32>
    %reduce_sum3A_310 = arith.constant dense<0.000000e+00> : vector<1xf32>
    %reduce_sum3A_311 = vector.multi_reduction <add>, %reduce_sum3A_309, %reduce_sum3A_310 [1] : vector<1x1024xf32> to vector<1xf32>
    %reduce_sum3A_312 = vector.shape_cast %reduce_sum3A_311 : vector<1xf32> to vector<1x1xf32>
    %reduce_sum3A_313 = vector.extract %reduce_sum3A_312[0, 0] : f32 from vector<1x1xf32>
    %slice3A_314 = vector.extract_strided_slice %reshape3A {offsets = [1, 0, 0], sizes = [1, 1024, 256], strides = [1, 1, 1]} : vector<4x1024x256xf32> to vector<1x1024x256xf32>
    %squeeze3A_315 = vector.shape_cast %slice3A_314 : vector<1x1024x256xf32> to vector<1024x256xf32>
    %reduce_sum3A_316 = arith.constant dense<0.000000e+00> : vector<256xf32>
    %reduce_sum3A_317 = vector.multi_reduction <add>, %squeeze3A_315, %reduce_sum3A_316 [0] : vector<1024x256xf32> to vector<256xf32>
    %reshape3A_318 = vector.shape_cast %reduce_sum3A_317 : vector<256xf32> to vector<1x256xf32>
    %max3A_319 = arith.constant 1.000000e+00 : f32
    %max3A_320 = arith.maximumf %reduce_sum3A_313, %max3A_319 : f32
    %div3A_321 = vector.broadcast %max3A_320 : f32 to vector<1x256xf32>
    %div3A_322 = arith.divf %reshape3A_318, %div3A_321 : vector<1x256xf32>
    %dot_general3A_323 = arith.constant dense<0.000000e+00> : vector<256x256xf32>
    %dot_general3A_324 = tpu.matmul %div3A_322, %div3A_322, %dot_general3A_323 {dimension_numbers = #tpu.dot_dimension_numbers<[0], [0], [1], [1], [0, 1, 1, 1], [], []>, transpose_lhs_hint = false} : vector<1x256xf32>, vector<1x256xf32>, vector<256x256xf32> -> vector<256x256xf32>
    %mul3A_325 = vector.broadcast %reduce_sum3A_313 : f32 to vector<256x256xf32>
    %mul3A_326 = arith.mulf %mul3A_325, %dot_general3A_324 : vector<256x256xf32>
    %sub3A_327 = arith.subf %mul3A_178, %mul3A_326 : vector<256x256xf32>
    %add3A_328 = arith.constant 9.99999997E-7 : f32
    %add3A_329 = arith.addf %reduce_sum3A_313, %add3A_328 : f32
    %div3A_330 = vector.broadcast %add3A_329 : f32 to vector<256x256xf32>
    %div3A_331 = arith.divf %sub3A_327, %div3A_330 : vector<256x256xf32>
    %sub3A_332 = arith.subf %div3A_322, %mul3A_246 : vector<1x256xf32>
    %integer_pow3A_333 = arith.mulf %sub3A_332, %sub3A_332 : vector<1x256xf32>
    %reduce_sum3A_334 = vector.shape_cast %integer_pow3A_333 : vector<1x256xf32> to vector<1x1x256xf32>
    %reduce_sum3A_335 = arith.constant dense<0.000000e+00> : vector<1xf32>
    %reduce_sum3A_336 = vector.multi_reduction <add>, %reduce_sum3A_334, %reduce_sum3A_335 [1, 2] : vector<1x1x256xf32> to vector<1xf32>
    %reduce_sum3A_337 = vector.shape_cast %reduce_sum3A_336 : vector<1xf32> to vector<1x1x1xf32>
    %reduce_sum3A_338 = vector.extract %reduce_sum3A_337[0, 0, 0] : f32 from vector<1x1x1xf32>
    %div3A_339 = arith.constant 2.560000e+02 : f32
    %div3A_340 = arith.divf %reduce_sum3A_338, %div3A_339 : f32
    %sub3A_341 = arith.subf %div3A_331, %add3A_253 : vector<256x256xf32>
    %integer_pow3A_342 = arith.mulf %sub3A_341, %sub3A_341 : vector<256x256xf32>
    %reduce_sum3A_343 = vector.shape_cast %integer_pow3A_342 : vector<256x256xf32> to vector<1x256x256xf32>
    %reduce_sum3A_344 = arith.constant dense<0.000000e+00> : vector<1xf32>
    %reduce_sum3A_345 = vector.multi_reduction <add>, %reduce_sum3A_343, %reduce_sum3A_344 [1, 2] : vector<1x256x256xf32> to vector<1xf32>
    %reduce_sum3A_346 = vector.shape_cast %reduce_sum3A_345 : vector<1xf32> to vector<1x1x1xf32>
    %reduce_sum3A_347 = vector.extract %reduce_sum3A_346[0, 0, 0] : f32 from vector<1x1x1xf32>
    %div3A_348 = arith.constant 6.553600e+04 : f32
    %div3A_349 = arith.divf %reduce_sum3A_347, %div3A_348 : f32
    %add3A_350 = arith.addf %div3A_340, %div3A_349 : f32
    %gt3A_351 = arith.constant 0.000000e+00 : f32
    %gt3A_352 = arith.cmpf ogt, %reduce_sum3A_313, %gt3A_351 : f32
    %convert_element_type3A_353 = arith.extui %gt3A_352 : i1 to i32
    %convert_element_type3A_354 = arith.sitofp %convert_element_type3A_353 : i32 to f32
    %mul3A_355 = arith.mulf %convert_element_type3A_354, %add3A_350 : f32
    %add3A_356 = arith.addf %add3A_304, %mul3A_355 : f32
    %add3A_357 = arith.addf %add3A_306, %convert_element_type3A_354 : f32
    %slice3A_358 = vector.extract_strided_slice %reshape3A_15 {offsets = [2, 0], sizes = [1, 1024], strides = [1, 1]} : vector<4x1024xf32> to vector<1x1024xf32>
    %squeeze3A_359 = vector.shape_cast %slice3A_358 : vector<1x1024xf32> to vector<1024xf32>
    %reduce_sum3A_360 = vector.shape_cast %squeeze3A_359 : vector<1024xf32> to vector<1x1024xf32>
    %reduce_sum3A_361 = arith.constant dense<0.000000e+00> : vector<1xf32>
    %reduce_sum3A_362 = vector.multi_reduction <add>, %reduce_sum3A_360, %reduce_sum3A_361 [1] : vector<1x1024xf32> to vector<1xf32>
    %reduce_sum3A_363 = vector.shape_cast %reduce_sum3A_362 : vector<1xf32> to vector<1x1xf32>
    %reduce_sum3A_364 = vector.extract %reduce_sum3A_363[0, 0] : f32 from vector<1x1xf32>
    %slice3A_365 = vector.extract_strided_slice %reshape3A {offsets = [2, 0, 0], sizes = [1, 1024, 256], strides = [1, 1, 1]} : vector<4x1024x256xf32> to vector<1x1024x256xf32>
    %squeeze3A_366 = vector.shape_cast %slice3A_365 : vector<1x1024x256xf32> to vector<1024x256xf32>
    %reduce_sum3A_367 = arith.constant dense<0.000000e+00> : vector<256xf32>
    %reduce_sum3A_368 = vector.multi_reduction <add>, %squeeze3A_366, %reduce_sum3A_367 [0] : vector<1024x256xf32> to vector<256xf32>
    %reshape3A_369 = vector.shape_cast %reduce_sum3A_368 : vector<256xf32> to vector<1x256xf32>
    %max3A_370 = arith.constant 1.000000e+00 : f32
    %max3A_371 = arith.maximumf %reduce_sum3A_364, %max3A_370 : f32
    %div3A_372 = vector.broadcast %max3A_371 : f32 to vector<1x256xf32>
    %div3A_373 = arith.divf %reshape3A_369, %div3A_372 : vector<1x256xf32>
    %dot_general3A_374 = arith.constant dense<0.000000e+00> : vector<256x256xf32>
    %dot_general3A_375 = tpu.matmul %div3A_373, %div3A_373, %dot_general3A_374 {dimension_numbers = #tpu.dot_dimension_numbers<[0], [0], [1], [1], [0, 1, 1, 1], [], []>, transpose_lhs_hint = false} : vector<1x256xf32>, vector<1x256xf32>, vector<256x256xf32> -> vector<256x256xf32>
    %mul3A_376 = vector.broadcast %reduce_sum3A_364 : f32 to vector<256x256xf32>
    %mul3A_377 = arith.mulf %mul3A_376, %dot_general3A_375 : vector<256x256xf32>
    %sub3A_378 = arith.subf %mul3A_201, %mul3A_377 : vector<256x256xf32>
    %add3A_379 = arith.constant 9.99999997E-7 : f32
    %add3A_380 = arith.addf %reduce_sum3A_364, %add3A_379 : f32
    %div3A_381 = vector.broadcast %add3A_380 : f32 to vector<256x256xf32>
    %div3A_382 = arith.divf %sub3A_378, %div3A_381 : vector<256x256xf32>
    %sub3A_383 = arith.subf %div3A_373, %mul3A_246 : vector<1x256xf32>
    %integer_pow3A_384 = arith.mulf %sub3A_383, %sub3A_383 : vector<1x256xf32>
    %reduce_sum3A_385 = vector.shape_cast %integer_pow3A_384 : vector<1x256xf32> to vector<1x1x256xf32>
    %reduce_sum3A_386 = arith.constant dense<0.000000e+00> : vector<1xf32>
    %reduce_sum3A_387 = vector.multi_reduction <add>, %reduce_sum3A_385, %reduce_sum3A_386 [1, 2] : vector<1x1x256xf32> to vector<1xf32>
    %reduce_sum3A_388 = vector.shape_cast %reduce_sum3A_387 : vector<1xf32> to vector<1x1x1xf32>
    %reduce_sum3A_389 = vector.extract %reduce_sum3A_388[0, 0, 0] : f32 from vector<1x1x1xf32>
    %div3A_390 = arith.constant 2.560000e+02 : f32
    %div3A_391 = arith.divf %reduce_sum3A_389, %div3A_390 : f32
    %sub3A_392 = arith.subf %div3A_382, %add3A_253 : vector<256x256xf32>
    %integer_pow3A_393 = arith.mulf %sub3A_392, %sub3A_392 : vector<256x256xf32>
    %reduce_sum3A_394 = vector.shape_cast %integer_pow3A_393 : vector<256x256xf32> to vector<1x256x256xf32>
    %reduce_sum3A_395 = arith.constant dense<0.000000e+00> : vector<1xf32>
    %reduce_sum3A_396 = vector.multi_reduction <add>, %reduce_sum3A_394, %reduce_sum3A_395 [1, 2] : vector<1x256x256xf32> to vector<1xf32>
    %reduce_sum3A_397 = vector.shape_cast %reduce_sum3A_396 : vector<1xf32> to vector<1x1x1xf32>
    %reduce_sum3A_398 = vector.extract %reduce_sum3A_397[0, 0, 0] : f32 from vector<1x1x1xf32>
    %div3A_399 = arith.constant 6.553600e+04 : f32
    %div3A_400 = arith.divf %reduce_sum3A_398, %div3A_399 : f32
    %add3A_401 = arith.addf %div3A_391, %div3A_400 : f32
    %gt3A_402 = arith.constant 0.000000e+00 : f32
    %gt3A_403 = arith.cmpf ogt, %reduce_sum3A_364, %gt3A_402 : f32
    %convert_element_type3A_404 = arith.extui %gt3A_403 : i1 to i32
    %convert_element_type3A_405 = arith.sitofp %convert_element_type3A_404 : i32 to f32
    %mul3A_406 = arith.mulf %convert_element_type3A_405, %add3A_401 : f32
    %add3A_407 = arith.addf %add3A_356, %mul3A_406 : f32
    %add3A_408 = arith.addf %add3A_357, %convert_element_type3A_405 : f32
    %slice3A_409 = vector.extract_strided_slice %reshape3A_15 {offsets = [3, 0], sizes = [1, 1024], strides = [1, 1]} : vector<4x1024xf32> to vector<1x1024xf32>
    %squeeze3A_410 = vector.shape_cast %slice3A_409 : vector<1x1024xf32> to vector<1024xf32>
    %reduce_sum3A_411 = vector.shape_cast %squeeze3A_410 : vector<1024xf32> to vector<1x1024xf32>
    %reduce_sum3A_412 = arith.constant dense<0.000000e+00> : vector<1xf32>
    %reduce_sum3A_413 = vector.multi_reduction <add>, %reduce_sum3A_411, %reduce_sum3A_412 [1] : vector<1x1024xf32> to vector<1xf32>
    %reduce_sum3A_414 = vector.shape_cast %reduce_sum3A_413 : vector<1xf32> to vector<1x1xf32>
    %reduce_sum3A_415 = vector.extract %reduce_sum3A_414[0, 0] : f32 from vector<1x1xf32>
    %slice3A_416 = vector.extract_strided_slice %reshape3A {offsets = [3, 0, 0], sizes = [1, 1024, 256], strides = [1, 1, 1]} : vector<4x1024x256xf32> to vector<1x1024x256xf32>
    %squeeze3A_417 = vector.shape_cast %slice3A_416 : vector<1x1024x256xf32> to vector<1024x256xf32>
    %reduce_sum3A_418 = arith.constant dense<0.000000e+00> : vector<256xf32>
    %reduce_sum3A_419 = vector.multi_reduction <add>, %squeeze3A_417, %reduce_sum3A_418 [0] : vector<1024x256xf32> to vector<256xf32>
    %reshape3A_420 = vector.shape_cast %reduce_sum3A_419 : vector<256xf32> to vector<1x256xf32>
    %max3A_421 = arith.constant 1.000000e+00 : f32
    %max3A_422 = arith.maximumf %reduce_sum3A_415, %max3A_421 : f32
    %div3A_423 = vector.broadcast %max3A_422 : f32 to vector<1x256xf32>
    %div3A_424 = arith.divf %reshape3A_420, %div3A_423 : vector<1x256xf32>
    %dot_general3A_425 = arith.constant dense<0.000000e+00> : vector<256x256xf32>
    %dot_general3A_426 = tpu.matmul %div3A_424, %div3A_424, %dot_general3A_425 {dimension_numbers = #tpu.dot_dimension_numbers<[0], [0], [1], [1], [0, 1, 1, 1], [], []>, transpose_lhs_hint = false} : vector<1x256xf32>, vector<1x256xf32>, vector<256x256xf32> -> vector<256x256xf32>
    %mul3A_427 = vector.broadcast %reduce_sum3A_415 : f32 to vector<256x256xf32>
    %mul3A_428 = arith.mulf %mul3A_427, %dot_general3A_426 : vector<256x256xf32>
    %sub3A_429 = arith.subf %mul3A_224, %mul3A_428 : vector<256x256xf32>
    %add3A_430 = arith.constant 9.99999997E-7 : f32
    %add3A_431 = arith.addf %reduce_sum3A_415, %add3A_430 : f32
    %div3A_432 = vector.broadcast %add3A_431 : f32 to vector<256x256xf32>
    %div3A_433 = arith.divf %sub3A_429, %div3A_432 : vector<256x256xf32>
    %sub3A_434 = arith.subf %div3A_424, %mul3A_246 : vector<1x256xf32>
    %integer_pow3A_435 = arith.mulf %sub3A_434, %sub3A_434 : vector<1x256xf32>
    %reduce_sum3A_436 = vector.shape_cast %integer_pow3A_435 : vector<1x256xf32> to vector<1x1x256xf32>
    %reduce_sum3A_437 = arith.constant dense<0.000000e+00> : vector<1xf32>
    %reduce_sum3A_438 = vector.multi_reduction <add>, %reduce_sum3A_436, %reduce_sum3A_437 [1, 2] : vector<1x1x256xf32> to vector<1xf32>
    %reduce_sum3A_439 = vector.shape_cast %reduce_sum3A_438 : vector<1xf32> to vector<1x1x1xf32>
    %reduce_sum3A_440 = vector.extract %reduce_sum3A_439[0, 0, 0] : f32 from vector<1x1x1xf32>
    %div3A_441 = arith.constant 2.560000e+02 : f32
    %div3A_442 = arith.divf %reduce_sum3A_440, %div3A_441 : f32
    %sub3A_443 = arith.subf %div3A_433, %add3A_253 : vector<256x256xf32>
    %integer_pow3A_444 = arith.mulf %sub3A_443, %sub3A_443 : vector<256x256xf32>
    %reduce_sum3A_445 = vector.shape_cast %integer_pow3A_444 : vector<256x256xf32> to vector<1x256x256xf32>
    %reduce_sum3A_446 = arith.constant dense<0.000000e+00> : vector<1xf32>
    %reduce_sum3A_447 = vector.multi_reduction <add>, %reduce_sum3A_445, %reduce_sum3A_446 [1, 2] : vector<1x256x256xf32> to vector<1xf32>
    %reduce_sum3A_448 = vector.shape_cast %reduce_sum3A_447 : vector<1xf32> to vector<1x1x1xf32>
    %reduce_sum3A_449 = vector.extract %reduce_sum3A_448[0, 0, 0] : f32 from vector<1x1x1xf32>
    %div3A_450 = arith.constant 6.553600e+04 : f32
    %div3A_451 = arith.divf %reduce_sum3A_449, %div3A_450 : f32
    %add3A_452 = arith.addf %div3A_442, %div3A_451 : f32
    %gt3A_453 = arith.constant 0.000000e+00 : f32
    %gt3A_454 = arith.cmpf ogt, %reduce_sum3A_415, %gt3A_453 : f32
    %convert_element_type3A_455 = arith.extui %gt3A_454 : i1 to i32
    %convert_element_type3A_456 = arith.sitofp %convert_element_type3A_455 : i32 to f32
    %mul3A_457 = arith.mulf %convert_element_type3A_456, %add3A_452 : f32
    %add3A_458 = arith.addf %add3A_407, %mul3A_457 : f32
    %add3A_459 = arith.addf %add3A_408, %convert_element_type3A_456 : f32
    %gt3A_460 = arith.constant 0.000000e+00 : f32
    %gt3A_461 = arith.cmpf ogt, %add3A_459, %gt3A_460 : f32
    %max3A_462 = arith.constant 1.000000e+00 : f32
    %max3A_463 = arith.maximumf %add3A_459, %max3A_462 : f32
    %div3A_464 = arith.divf %add3A_458, %max3A_463 : f32
    %jit3A_465 = arith.constant 0.000000e+00 : f32
    %select_n3A_466 = arith.select %gt3A_461, %div3A_464, %jit3A_465 : f32
    %add3A_467 = arith.addf %select_n3A, %select_n3A_466 : f32
    %broadcast_in_dim3A_468 = vector.broadcast %add3A_467 : f32 to vector<1x1xf32>
    %swap3A = arith.constant 0 : index
    %swap3A_469 = arith.constant 0 : index
    %swap3A_470 = vector.load %arg3[%swap3A, %swap3A_469] : memref<1x1xf32, #tpu.memory_space<vmem>>, vector<1x1xf32>
    tpu.vector_store %arg3[%swap3A, %swap3A_469], %broadcast_in_dim3A_468 {strides = array<i32>} : memref<1x1xf32, #tpu.memory_space<vmem>>, vector<1x1xf32>,
    return
  }
}

module attributes {stable_mosaic.version = 14 : i64} {
  func.func @_mm_body(%arg0: i32, %arg1: memref<4096x1xi8, #tpu.memory_space<vmem>>, %arg2: memref<4096x256xf32, #tpu.memory_space<vmem>>, %arg3: memref<4x256x256xf32, #tpu.memory_space<vmem>>) attributes {dimension_semantics = [#tpu.dimension_semantics<arbitrary>], iteration_bounds = array<i64: 4>, scalar_prefetch = 0 : i64, scratch_operands = 0 : i64, tpu.core_type = #tpu.core_type<tc>, window_params = [{transform_indices = @transform_0, window_bounds = array<i64: 4096, 1>}, {transform_indices = @transform_1, window_bounds = array<i64: 4096, 256>}, {pipeline_mode = #tpu.pipeline_mode<synchronous>, transform_indices = @transform_2, window_bounds = array<i64: 4, 256, 256>}]} {
    %eq3A = arith.constant 0 : i32
    %eq3A_0 = arith.cmpi eq, %arg0, %eq3A : i32
    %convert_element_type3A = arith.extui %eq3A_0 : i1 to i32
    %cond3A = arith.constant 0 : i32
    %cond3A_1 = arith.cmpi ne, %convert_element_type3A, %cond3A : i32
    scf.if %cond3A_1 {
      %broadcast_in_dim3A_82 = arith.constant 0.000000e+00 : f32
      %broadcast_in_dim3A_83 = vector.broadcast %broadcast_in_dim3A_82 : f32 to vector<4x256x256xf32>
      %swap3A_84 = arith.constant 0 : index
      %swap3A_85 = arith.constant 0 : index
      %swap3A_86 = arith.constant 0 : index
      %swap3A_87 = vector.load %arg3[%swap3A_84, %swap3A_85, %swap3A_86] : memref<4x256x256xf32, #tpu.memory_space<vmem>>, vector<4x256x256xf32>
      tpu.vector_store %arg3[%swap3A_84, %swap3A_85, %swap3A_86], %broadcast_in_dim3A_83 {strides = array<i32>} : memref<4x256x256xf32, #tpu.memory_space<vmem>>, vector<4x256x256xf32>,
    } else {
    }
    %get3A = arith.constant 0 : index
    %get3A_2 = arith.constant 0 : index
    %get3A_3 = vector.load %arg2[%get3A, %get3A_2] : memref<4096x256xf32, #tpu.memory_space<vmem>>, vector<4096x256xf32>
    %convert_element_type3A_4 = arith.truncf %get3A_3 : vector<4096x256xf32> to vector<4096x256xbf16>
    %get3A_5 = arith.constant 0 : index
    %get3A_6 = arith.constant 0 : index
    %get3A_7 = vector.load %arg1[%get3A_5, %get3A_6] : memref<4096x1xi8, #tpu.memory_space<vmem>>, vector<4096x1xi8>
    %convert_element_type3A_8 = arith.extsi %get3A_7 : vector<4096x1xi8> to vector<4096x1xi32>
    %and3A = arith.constant 1 : i32
    %and3A_9 = vector.broadcast %and3A : i32 to vector<4096x1xi32>
    %and3A_10 = arith.andi %convert_element_type3A_8, %and3A_9 : vector<4096x1xi32>
    %eq3A_11 = arith.constant 1 : i32
    %eq3A_12 = vector.broadcast %eq3A_11 : i32 to vector<4096x1xi32>
    %eq3A_13 = arith.cmpi eq, %and3A_10, %eq3A_12 : vector<4096x1xi32>
    %neg3A = arith.constant 0.000000e+00 : bf16
    %neg3A_14 = vector.broadcast %neg3A : bf16 to vector<4096x256xbf16>
    %neg3A_15 = arith.subf %neg3A_14, %convert_element_type3A_4 : vector<4096x256xbf16>
    %broadcast_in_dim3A = vector.shape_cast %eq3A_13 : vector<4096x1xi1> to vector<4096x1xi1>
    %broadcast_in_dim3A_16 = vector.broadcast %broadcast_in_dim3A : vector<4096x1xi1> to vector<4096x256xi1>
    %select_n3A = arith.select %broadcast_in_dim3A_16, %convert_element_type3A_4, %neg3A_15 : vector<4096x256xi1>, vector<4096x256xbf16>
    %and3A_17 = arith.constant 2 : i32
    %and3A_18 = vector.broadcast %and3A_17 : i32 to vector<4096x1xi32>
    %and3A_19 = arith.andi %convert_element_type3A_8, %and3A_18 : vector<4096x1xi32>
    %eq3A_20 = arith.constant 2 : i32
    %eq3A_21 = vector.broadcast %eq3A_20 : i32 to vector<4096x1xi32>
    %eq3A_22 = arith.cmpi eq, %and3A_19, %eq3A_21 : vector<4096x1xi32>
    %neg3A_23 = arith.constant 0.000000e+00 : bf16
    %neg3A_24 = vector.broadcast %neg3A_23 : bf16 to vector<4096x256xbf16>
    %neg3A_25 = arith.subf %neg3A_24, %convert_element_type3A_4 : vector<4096x256xbf16>
    %broadcast_in_dim3A_26 = vector.shape_cast %eq3A_22 : vector<4096x1xi1> to vector<4096x1xi1>
    %broadcast_in_dim3A_27 = vector.broadcast %broadcast_in_dim3A_26 : vector<4096x1xi1> to vector<4096x256xi1>
    %select_n3A_28 = arith.select %broadcast_in_dim3A_27, %convert_element_type3A_4, %neg3A_25 : vector<4096x256xi1>, vector<4096x256xbf16>
    %get3A_29 = arith.constant 0 : index
    %get3A_30 = arith.constant 0 : index
    %get3A_31 = arith.constant 0 : index
    %get3A_32 = vector.load %arg3[%get3A_29, %get3A_30, %get3A_31] : memref<4x256x256xf32, #tpu.memory_space<vmem>>, vector<1x256x256xf32>
    %get3A_33 = vector.shape_cast %get3A_32 : vector<1x256x256xf32> to vector<256x256xf32>
    %dot_general3A = arith.constant dense<0.000000e+00> : vector<256x256xf32>
    %dot_general3A_34 = tpu.matmul %convert_element_type3A_4, %convert_element_type3A_4, %dot_general3A {dimension_numbers = #tpu.dot_dimension_numbers<[0], [0], [1], [1], [0, 1, 1, 1], [], []>, transpose_lhs_hint = false} : vector<4096x256xbf16>, vector<4096x256xbf16>, vector<256x256xf32> -> vector<256x256xf32>
    %add3A = arith.addf %get3A_33, %dot_general3A_34 : vector<256x256xf32>
    %swap3A = arith.constant 0 : index
    %swap3A_35 = arith.constant 0 : index
    %swap3A_36 = arith.constant 0 : index
    %swap3A_37 = vector.load %arg3[%swap3A, %swap3A_35, %swap3A_36] : memref<4x256x256xf32, #tpu.memory_space<vmem>>, vector<1x256x256xf32>
    %swap3A_38 = vector.shape_cast %swap3A_37 : vector<1x256x256xf32> to vector<256x256xf32>
    %swap3A_39 = vector.shape_cast %add3A : vector<256x256xf32> to vector<1x256x256xf32>
    tpu.vector_store %arg3[%swap3A, %swap3A_35, %swap3A_36], %swap3A_39 {strides = array<i32>} : memref<4x256x256xf32, #tpu.memory_space<vmem>>, vector<1x256x256xf32>,
    %get3A_40 = arith.constant 1 : index
    %get3A_41 = arith.constant 0 : index
    %get3A_42 = arith.constant 0 : index
    %get3A_43 = vector.load %arg3[%get3A_40, %get3A_41, %get3A_42] : memref<4x256x256xf32, #tpu.memory_space<vmem>>, vector<1x256x256xf32>
    %get3A_44 = vector.shape_cast %get3A_43 : vector<1x256x256xf32> to vector<256x256xf32>
    %dot_general3A_45 = arith.constant dense<0.000000e+00> : vector<256x256xf32>
    %dot_general3A_46 = tpu.matmul %convert_element_type3A_4, %select_n3A, %dot_general3A_45 {dimension_numbers = #tpu.dot_dimension_numbers<[0], [0], [1], [1], [0, 1, 1, 1], [], []>, transpose_lhs_hint = false} : vector<4096x256xbf16>, vector<4096x256xbf16>, vector<256x256xf32> -> vector<256x256xf32>
    %add3A_47 = arith.addf %get3A_44, %dot_general3A_46 : vector<256x256xf32>
    %swap3A_48 = arith.constant 1 : index
    %swap3A_49 = arith.constant 0 : index
    %swap3A_50 = arith.constant 0 : index
    %swap3A_51 = vector.load %arg3[%swap3A_48, %swap3A_49, %swap3A_50] : memref<4x256x256xf32, #tpu.memory_space<vmem>>, vector<1x256x256xf32>
    %swap3A_52 = vector.shape_cast %swap3A_51 : vector<1x256x256xf32> to vector<256x256xf32>
    %swap3A_53 = vector.shape_cast %add3A_47 : vector<256x256xf32> to vector<1x256x256xf32>
    tpu.vector_store %arg3[%swap3A_48, %swap3A_49, %swap3A_50], %swap3A_53 {strides = array<i32>} : memref<4x256x256xf32, #tpu.memory_space<vmem>>, vector<1x256x256xf32>,
    %get3A_54 = arith.constant 2 : index
    %get3A_55 = arith.constant 0 : index
    %get3A_56 = arith.constant 0 : index
    %get3A_57 = vector.load %arg3[%get3A_54, %get3A_55, %get3A_56] : memref<4x256x256xf32, #tpu.memory_space<vmem>>, vector<1x256x256xf32>
    %get3A_58 = vector.shape_cast %get3A_57 : vector<1x256x256xf32> to vector<256x256xf32>
    %dot_general3A_59 = arith.constant dense<0.000000e+00> : vector<256x256xf32>
    %dot_general3A_60 = tpu.matmul %convert_element_type3A_4, %select_n3A_28, %dot_general3A_59 {dimension_numbers = #tpu.dot_dimension_numbers<[0], [0], [1], [1], [0, 1, 1, 1], [], []>, transpose_lhs_hint = false} : vector<4096x256xbf16>, vector<4096x256xbf16>, vector<256x256xf32> -> vector<256x256xf32>
    %add3A_61 = arith.addf %get3A_58, %dot_general3A_60 : vector<256x256xf32>
    %swap3A_62 = arith.constant 2 : index
    %swap3A_63 = arith.constant 0 : index
    %swap3A_64 = arith.constant 0 : index
    %swap3A_65 = vector.load %arg3[%swap3A_62, %swap3A_63, %swap3A_64] : memref<4x256x256xf32, #tpu.memory_space<vmem>>, vector<1x256x256xf32>
    %swap3A_66 = vector.shape_cast %swap3A_65 : vector<1x256x256xf32> to vector<256x256xf32>
    %swap3A_67 = vector.shape_cast %add3A_61 : vector<256x256xf32> to vector<1x256x256xf32>
    tpu.vector_store %arg3[%swap3A_62, %swap3A_63, %swap3A_64], %swap3A_67 {strides = array<i32>} : memref<4x256x256xf32, #tpu.memory_space<vmem>>, vector<1x256x256xf32>,
    %get3A_68 = arith.constant 3 : index
    %get3A_69 = arith.constant 0 : index
    %get3A_70 = arith.constant 0 : index
    %get3A_71 = vector.load %arg3[%get3A_68, %get3A_69, %get3A_70] : memref<4x256x256xf32, #tpu.memory_space<vmem>>, vector<1x256x256xf32>
    %get3A_72 = vector.shape_cast %get3A_71 : vector<1x256x256xf32> to vector<256x256xf32>
    %dot_general3A_73 = arith.constant dense<0.000000e+00> : vector<256x256xf32>
    %dot_general3A_74 = tpu.matmul %select_n3A, %select_n3A_28, %dot_general3A_73 {dimension_numbers = #tpu.dot_dimension_numbers<[0], [0], [1], [1], [0, 1, 1, 1], [], []>, transpose_lhs_hint = false} : vector<4096x256xbf16>, vector<4096x256xbf16>, vector<256x256xf32> -> vector<256x256xf32>
    %add3A_75 = arith.addf %get3A_72, %dot_general3A_74 : vector<256x256xf32>
    %swap3A_76 = arith.constant 3 : index
    %swap3A_77 = arith.constant 0 : index
    %swap3A_78 = arith.constant 0 : index
    %swap3A_79 = vector.load %arg3[%swap3A_76, %swap3A_77, %swap3A_78] : memref<4x256x256xf32, #tpu.memory_space<vmem>>, vector<1x256x256xf32>
    %swap3A_80 = vector.shape_cast %swap3A_79 : vector<1x256x256xf32> to vector<256x256xf32>
    %swap3A_81 = vector.shape_cast %add3A_75 : vector<256x256xf32> to vector<1x256x256xf32>
    tpu.vector_store %arg3[%swap3A_76, %swap3A_77, %swap3A_78], %swap3A_81 {strides = array<i32>} : memref<4x256x256xf32, #tpu.memory_space<vmem>>, vector<1x256x256xf32>,
    return
  }
  func.func @transform_0(%arg0: i32) -> (i32, i32) {
    %c0_i32 = arith.constant 0 : i32
    %c0_i32_0 = arith.constant 0 : i32
    return %arg0, %c0_i32 : i32, i32
  }
  func.func @transform_1(%arg0: i32) -> (i32, i32) {
    %c0_i32 = arith.constant 0 : i32
    %c0_i32_0 = arith.constant 0 : i32
    return %arg0, %c0_i32 : i32, i32
  }
  func.func @transform_2(%arg0: i32) -> (i32, i32, i32) {
    %c0_i32 = arith.constant 0 : i32
    %c0_i32_0 = arith.constant 0 : i32
    %c0_i32_1 = arith.constant 0 : i32
    %c0_i32_2 = arith.constant 0 : i32
    return %c0_i32, %c0_i32_0, %c0_i32_1 : i32, i32, i32
  }
}

</mosaic_0001>

<sc_bundles>
// kernel: kernel.5.cloned.1.call-start
scs
__scs_entry_jumppad:
0x0: {  	(pc) =	sbr.rel $0x88, $3  }
0x1: {  	(tag) =	ssettag $0x0;
	lr =	simm.s32 $0x1  }
0x2: {  	[smem:$0x3F9E] =	sst lr;
	_ =	strace $0xD0000000  }
0x3: {  	_ = 	snop  }
0x4: {  	_ = 	snop  }
0x5: {  	_ = 	snop  }
0x6: {  	_ = 	snop  }
0x7: {  	_ = 	snop  }
__scs_overlays_trampoline_lowered:
0x8: {  	[smem:$0x3FAD] =	sst s0  }
0x9: {  	[smem:$0x3FAE] =	sst s1  }
0xa: {  	[smem:$0x3FAF] =	sst s2  }
0xb: {  	[smem:$0x3FB0] =	sst s3  }
0xc: {  	[smem:$0x3FB1] =	sst s4  }
0xd: {  	[smem:$0x3FB2] =	sst s5  }
0xe: {  	[smem:$0x3FB3] =	sst s6  }
0xf: {  	[smem:$0x3FB4] =	sst s7  }
0x10: {  	[smem:$0x3FB5] =	sst s8  }
0x11: {  	[smem:$0x3FB6] =	sst s9;
	s0 =	simm.s32 @!p0 $0x0  }
0x12: {  	s1 =	sld [smem:$0x3F9C];
	s0 =	simm.s32 @p0 $0x1  }
0x13: {  	[smem:$0x3FB7] =	sst s0;
	s0 =	simm.s32 @!p1 $0x0  }
0x14: {  	s2 =	sld [smem:$0x3F9B];
	s0 =	simm.s32 @p1 $0x1  }
0x15: {  	[smem:$0x3FB8] =	sst s0;
	s0 =	simm.s32 @!p2 $0x0  }
0x16: {  	s3 =	sld [smem:$0x3FDB];
	s0 =	simm.s32 @p2 $0x1  }
0x17: {  	s4 =	simm.s32 $0x1BF5;
	[smem:$0x3FBA] =	sst s0  }
0x18: {  	s0 =	sld [smem:$0x3F9D];
	_ =	swait.ge [sflag:s4], $0x0  }
0x19: {  	s7 =	sld [smem:$0x3F9E]  }
0x1a: {  	s8 =	sadd.s32 $0xFFFFE003, lr  }
0x1b: {  	s9 =	sadd.s32 $0xFFFFFEF7, lr;
	s5 =	simm.s32 $0xFFFFFFFF;
	p2 =	slt.u32 s8, $0xFFFFF086  }
0x1c: {  	p1 =	slt.u32 s9, $0xF7A;
	s5 =	simm.s32 @!p2 $0x0  }
0x1d: {  	s5 =	simm.s32 @p1 $0x1;
	p0 =	seq.s32 s7, s2  }
0x1e: {  	s7 =	smul.u32 @!p0 $0xF7A, s2;
	p2 =	seq.s32 @!p0 s5, $0x0  }
0x1f: {  	s9 =	smul.u32 $0xF7A, s1;
	s8 =	simm.s32 @!p0 $0x1BF5;
	p2 =	por !p2, p0  }
0x20: {  	[sflag:s8] =	ssyncset.s32 @!p0 $0xFFFFF086;
	s6 =	sadd.s32 @!p0 s3, s7;
	s7 =	simm.s32 @!p0 $0x108  }
0x21: {  	s3 =	sadd.s32 s3, s9;
	s6 =	sadd.s32 @!p0 $0x88, s6;
	s7 =	simm.s32 @p2 $0x1082  }
0x22: {  	[simem:s7], [sflag:s8] =	dma.local @!p0 [hbm:s6], $0xF7A  }
0x23: {  	s9 =	sor.u32 $0xD0000000, s2;
	s6 =	simm.s32 $0x108;
	_ =	swait.ge @!p0 [sflag:s8], $0x0  }
0x24: {  	s3 =	sadd.s32 $0x88, s3;
	s6 =	simm.s32 @!p1 $0x1082;
	[sflag:s4] =	ssyncset.s32 $0xFFFFF086  }
0x25: {  	[simem:s6], [sflag:s4] =	dma.local [hbm:s3], $0xF7A  }
0x26: {  	[smem:$0x3F9E] =	sst s1;
	(tag) =	ssettag s2;
	_ =	strace s9  }
0x27: {  	s1 =	sld [smem:$0x3FAE]  }
0x28: {  	s2 =	sld [smem:$0x3FAF]  }
0x29: {  	s4 =	sld [smem:$0x3FB1]  }
0x2a: {  	p0 =	seq.s32 s5, $0x0;
	s5 =	sld [smem:$0x3FB2]  }
0x2b: {  	s6 =	sld [smem:$0x3FB3]  }
0x2c: {  	s7 =	sld [smem:$0x3FB4]  }
0x2d: {  	s3 =	simm.s32 $0x108;
	s8 =	sld [smem:$0x3FB5]  }
0x2e: {  	s3 =	simm.s32 @!p0 $0x1082;
	s9 =	sld [smem:$0x3FB6]  }
0x2f: {  	lr =	sadd.s32 s0, s3;
	s0 =	sld [smem:$0x3FAD]  }
0x30: {  	s3 =	sld [smem:$0x3FB0]  }
0x31: {  	[smem:$0x3FB9] =	sst s10  }
0x32: {  	s10 =	sld [smem:$0x3FB7];
	_ =	sdelay $0x3  }
0x33: {  	p0 =	seq.s32 s10, $0x1;
	s10 =	sld [smem:$0x3FB9];
	_ =	sdelay $0x3  }
0x34: {  	[smem:$0x3FB9] =	sst s10  }
0x35: {  	s10 =	sld [smem:$0x3FB8];
	_ =	sdelay $0x3  }
0x36: {  	p1 =	seq.s32 s10, $0x1;
	s10 =	sld [smem:$0x3FB9];
	_ =	sdelay $0x3  }
0x37: {  	[smem:$0x3FB9] =	sst s10  }
0x38: {  	s10 =	sld [smem:$0x3FBA]  }
0x39: {  	_ = 	snop;
	(pc) =	sbr.ind lr, $3  }
0x3a: {  	_ = 	snop  }
0x3b: {  	_ = 	snop  }
0x3c: {  	p2 =	seq.s32 s10, $0x1;
	s10 =	sld [smem:$0x3FB9]  }
0x3d: {  	_ =	shalt  }
0x3e: {  	_ =	shalt  }
0x3f: {  	_ =	shalt  }
0x40: {  	_ =	shalt  }
0x41: {  	_ =	shalt  }
0x42: {  	_ =	shalt  }
0x43: {  	_ =	shalt  }
0x44: {  	_ =	shalt  }
0x45: {  	_ =	shalt  }
0x46: {  	_ =	shalt  }
0x47: {  	_ =	shalt  }
0x48: {  	_ =	shalt  }
0x49: {  	_ =	shalt  }
0x4a: {  	_ =	shalt  }
0x4b: {  	_ =	shalt  }
0x4c: {  	_ =	shalt  }
0x4d: {  	_ =	shalt  }
0x4e: {  	_ =	shalt  }
0x4f: {  	_ =	shalt  }
0x50: {  	_ =	shalt  }
0x51: {  	_ =	shalt  }
0x52: {  	_ =	shalt  }
0x53: {  	_ =	shalt  }
0x54: {  	_ =	shalt  }
0x55: {  	_ =	shalt  }
0x56: {  	_ =	shalt  }
0x57: {  	_ =	shalt  }
0x58: {  	_ =	shalt  }
0x59: {  	_ =	shalt  }
0x5a: {  	_ =	shalt  }
0x5b: {  	_ =	shalt  }
0x5c: {  	_ =	shalt  }
0x5d: {  	_ =	shalt  }
0x5e: {  	_ =	shalt  }
0x5f: {  	_ =	shalt  }
0x60: {  	_ =	shalt  }
0x61: {  	_ =	shalt  }
0x62: {  	_ =	shalt  }
0x63: {  	_ =	shalt  }
0x64: {  	_ =	shalt  }
0x65: {  	_ =	shalt  }
0x66: {  	_ =	shalt  }
0x67: {  	_ =	shalt  }
0x68: {  	_ =	shalt  }
0x69: {  	_ =	shalt  }
0x6a: {  	_ =	shalt  }
0x6b: {  	_ =	shalt  }
0x6c: {  	_ =	shalt  }
0x6d: {  	_ =	shalt  }
0x6e: {  	_ =	shalt  }
0x6f: {  	_ =	shalt  }
0x70: {  	_ =	shalt  }
0x71: {  	_ =	shalt  }
0x72: {  	_ =	shalt  }
0x73: {  	_ =	shalt  }
0x74: {  	_ =	shalt  }
0x75: {  	_ =	shalt  }
0x76: {  	_ =	shalt  }
0x77: {  	_ =	shalt  }
0x78: {  	_ =	shalt  }
0x79: {  	_ =	shalt  }
0x7a: {  	_ =	shalt  }
0x7b: {  	_ =	shalt  }
0x7c: {  	_ =	shalt  }
0x7d: {  	_ =	shalt  }
0x7e: {  	_ =	shalt  }
0x7f: {  	_ =	shalt  }
0x80: {  	_ =	shalt  }
0x81: {  	_ =	shalt  }
0x82: {  	_ =	shalt  }
0x83: {  	_ =	shalt  }
0x84: {  	_ =	shalt  }
0x85: {  	_ =	shalt  }
0x86: {  	_ =	shalt  }
0x87: {  	_ =	shalt  }
.Lfunc_end0:
.L_simem_size_0:
called_computation_lowered:
.L_overlay_start_0:
0x88: {  	s2 =	sld [smem:$0x3FD9]  }
0x89: {  	s3 =	sld [smem:$0x3FFE];
	_ =	sdelay $0x1  }
0x8a: {  	s1 =	srdreg.scid  }
0x8b: {  	s0 =	sand.u32 $0x1, s1  }
0x8c: {  	s17 =	sshll.u32 s0, $0xA;
	s2 =	sadd.s32 s3, s2  }
0x8d: {  	s2 =	sadd.s32 s2, s17  }
0x8e: {  	[smem:$0x3FC5] =	sst s2  }
0x8f: {  	_ = 	snop  }
0x90: {  	s2 =	sld [smem:$0x3FC9]  }
0x91: {  	s18 =	sld [smem:$0x3FC8]  }
0x92: {  	s4 =	sld [smem:$0x3FC7];
	(tm) =	ssettm $0x1  }
0x93: {  	s5 =	sld [smem:$0x3FFB];
	_ =	sdelay $0x3  }
0x94: {  	_ =	strace s5  }
0x95: {  	s5 =	sld [smem:$0x3FFC];
	_ =	sdelay $0x3  }
0x96: {  	_ =	strace s5  }
0x97: {  	s5 =	sld [smem:$0x3FFD];
	_ =	sdelay $0x3  }
0x98: {  	_ =	strace s5  }
0x99: {  	_ =	strace $0x8FFFFFFF  }
0x9a: {  	s19 =	sld [smem:$0x3FDB];
	_ =	sdelay $0x1  }
0x9b: {  	s6 =	simm.s32 $_scs_section_size  }
0x9c: {  	s7 =	simm.s32 $_size__tile_overlayer_lowered;
	s8 =	simm.s32 $_tile_overlayer_lowered  }
0x9d: {  	s22 =	simm.s32 $0x1BFF;
	s21 =	sshll.u32 s8, $0x1;
	s5 =	sadd.s32 s6, s19  }
0x9e: {  	s9 =	simm.s32 $0x0;
	s20 =	sshll.u32 s7, $0x1;
	s7 =	sadd.s32 s21, s5  }
0x9f: {  	[timem:s9], [sflag:s22] =	dma.local [hbm:s7], s20  }
0xa0: {  	_ =	swait.ge [sflag:s22], s20  }
0xa1: {  	s6 =	ssub.s32 $0x0, s20;
	[sflag:s22] =	ssyncset.done $0x0  }
0xa2: {  	[sflag:s22] =	ssyncadd.s32 s6;
	_ =	sdelay $0x1  }
0xa3: {  	s23 =	simm.s32 $0x1B8B  }
0xa4: {  	_ =	swait.ge [sflag:s23], $0x1  }
0xa5: {  	[sflag:s23] =	ssyncset.done $0x0  }
0xa6: {  	s25 =	simm.s32 $0x1B8E;
	s24 =	sld [smem:$0x3FFE];
	[sflag:s23] =	ssyncadd.s32 $0xFFFFFFFF  }
0xa7: {  	s26 =	simm.s32 $execute0_lowered;
	[smem:$0x3FD2] =	sst s25  }
0xa8: {  	s7 =	sshll.u32 s26, $0x1;
	_ =	strace $0x80000046;
	[dreg:$0x1] =	wrdreg $0xFFFFFFFF  }
0xa9: {  	s28 =	simm.s32 $_size_execute0_lowered;
	s5 =	sadd.s32 s5, s7;
	[dreg:$0x0] =	wrdreg $0x0  }
0xaa: {  	s7 =	sshll.u32 s28, $0x1;
	[dreg:$0x2] =	wrdreg s5  }
0xab: {  	[dreg:$0x3] =	wrdreg s7  }
0xac: {  	[dreg:$0x4] =	wrdreg $0xC0  }
0xad: {  	_ =	task [dreg:s9], $0x5FFFF  }
0xae: {  	[dreg:$0x1] =	wrdreg $0xFFFFFFFF  }
0xaf: {  	[dreg:$0x0] =	wrdreg $0x60  }
0xb0: {  	[dreg:$0x2] =	wrdreg s2  }
0xb1: {  	[dreg:$0x3] =	wrdreg s18  }
0xb2: {  	[dreg:$0x4] =	wrdreg s4  }
0xb3: {  	[dreg:$0x5] =	wrdreg s24  }
0xb4: {  	[dreg:$0x6] =	wrdreg $0x160000  }
0xb5: {  	[dreg:$0x7] =	wrdreg $0x9  }
0xb6: {  	_ =	task.clear_ibuf [dreg:s9], $0x8FFFF;
	_ =	strace $0x90000046  }
0xb7: {  	s29 =	simm.s32 $0x9;
	_ =	strace $0x80000048  }
0xb8: {  	_ =	swait.ge [sflag:s29], $0x1  }
0xb9: {  	[sflag:s29] =	ssyncadd.s32 $0xFFFFFFFF  }
0xba: {  	_ =	strace $0x90000048  }
0xbb: {  	_ =	sfence  }
0xbc: {  	s30 =	sld [smem:$0x0];
	_ =	sdelay $0x2  }
0xbd: {  	s31 =	sshll.u32 s1, $0xD;
	s1 =	sshrl.u32 s1, $0x2  }
0xbe: {  	s3 =	sand.u32 $0x4000, s31;
	s1 =	sadd.s32 s1, s30  }
0xbf: {  	s0 =	sor.u32 s3, s0;
	s1 =	sshll.u32 s1, $0x11  }
0xc0: {  	s0 =	sor.u32 s1, s0  }
0xc1: {  	s0 =	sadd.s32 $0x8F2B, s0  }
0xc2: {  	[sflag:s0] =	ssyncadd.remote.s32 $0x1  }
0xc3: {  	_ =	sfence.sel $0xFFFF  }
0xc4: {  	[dreg:$0x0] =	wrdreg $0xFFFFFFFF;
	(pc) =	sbr.abs _section_cstart, $3  }
0xc5: {  	[dreg:$0x1] =	wrdreg $0xFFFFFFFF  }
0xc6: {  	_ =	task.clear_ibuf [dreg:s9], $0x2FFFF;
	_ =	strace $0x9FFFFFFF  }
0xc7: {  	(tm) =	ssettm $0x7FFFFFFF  }
tec
execute0_lowered:
.L_overlay_start_1:
0x0: {  	(tag) =	ssettag $0x1  }
0x1: {  	s1 =	rddreg [dreg:$0x0]  }
0x2: {  	s0 =	rddreg [dreg:$0x1]  }
0x3: {  	s2 =	rddreg [dreg:$0x2]  }
0x4: {  	s5 =	rddreg [dreg:$0x3]  }
0x5: {  	s3 =	rddreg [dreg:$0x4];
	s6 =	srdreg.scid;
	s4 =	simm.s32 $0x0  }
0x6: {  	s14 =	stileid.u32;
	s16 =	simm.s32 $0x80;
	s18 =	simm.s32 $0x4000  }
0x7: {  	s24 =	simm.s32 $0x10000;
	s25 =	simm.s32 $0x15000;
	s26 =	simm.s32 $0x1  }
0x8: {  	s29 =	simm.s32 $0x2;
	s31 =	simm.s32 $0x3;
	s17 =	simm.s32 $0x4  }
0x9: {  	s28 =	simm.s32 $0x7;
	s30 =	simm.s32 $0x0;
	s6 =	sand.u32 $0x1, s6  }
0xa: {  	[smem:$0x7FF] =	sst s4;
	s7 =	sshll.u32 s14, $0xF;
	s20 =	sshll.u32 s14, $0x7  }
0xb: {  	s8 =	sshll.u32 s6, $0x13;
	_ =	strace $0x80000047;
	s13 =	sshll.u32 s6, $0x9  }
0xc: {  	s9 =	ssub.s32 $0x2, s6;
	s6 =	sshll.u32 s6, $0x3;
	s0 =	sadd.s32 s0, s20  }
0xd: {  	s21 =	sadd.s32 s2, s20;
	s20 =	simm.s32 $0x8000;
	s2 =	simm.s32 $0x6  }
0xe: {  	s8 =	sor.u32 s7, s8;
	s11 =	sadd.s32 s13, s5;
	s19 =	sshrl.u32 s9, $0x1  }
0xf: {  	[dreg:$0x6] =	wrdreg s0;
	s7 =	sadd.s32 s7, s3;
	s23 =	sor.u32 $0x14C00, s13  }
0x10: {  	[dreg:$0x7] =	wrdreg s21;
	s15 =	sor.u32 $0x14800, s13;
	s13 =	simm.s32 $0x5;
	v1 =	vmov s23  }
0x11: {  	s8 =	sshrl.u32 s8, $0x3;
	s12 =	ssub.s32 s9, s19;
	s9 =	sadd.s32 $0x4000, s7;
	v2 =	vmov s15  }
0x12: {  	v3 =	vlaneseq.u32;
	s15 =	simm.s32 $0x8;
	s10 =	sadd.s32 s8, s5;
	s5 =	sshll.u32 s14, $0xA  }
0x13: {  	v4 =	vimm.f32 $0.0e+00;
	v0 =	vand.u32 $0x7, v3;
	s12 =	smax.u32 s12, $0x1;
	s14 =	simm.s32 $0x9;
	s22 =	sadd.s32 s5, s11  }
0x14: {  	v5 =	vimm.f32 $1.000000000e+00;
	v3 =	vmul.u32 $0x2, v3;
	v0 =	vor.u32 s6, v0;
	s10 =	sadd.s32 $0x1E00, s10;
	s11 =	sadd.s32 $0x21E00, s22;
	s22 =	simm.s32 $0xC000  }
.LBB2_1:
0x15: {  	s0 =	sadd.s32 $0x0, s5  }
0x16: {  	v6 =	vmov s0  }
0x17: {  	v6 =	vshll.u32 v6, $0x1  }
0x18: {  	s23 =	sand.u32 $0xE00, s4;
	v6 =	vor.u32 v3, v6  }
0x19: {  	s6 =	sand.u32 $0x70, s4;
	s19 =	sshrl.u32 s23, $0x2;
	v6 =	vand.u32 $0x7FFFFFF0, v6  }
0x1a: {  	s0 =	simm.s32 $0x40;
	s6 =	sor.u32 s6, s19;
	s19 =	simm.s32 $0x10;
	v6 =	vor.u32 v6, v0  }
.LBB2_2:
0x1b: {  	s21 =	sadd.s32 s19, s5  }
0x1c: {  	p0 =	sne.s32 s0, $0xFC0;
	[tilespmem:s6+$0x14000] =	vst v6;
	s6 =	smov.u32 s0;
	s0 =	sadd.s32 $0x40, s0  }
.Ltmp0:
0x1d: {  	v6 =	vmov s21;
	(pc) =	sbr.rel @p0 .LBB2_2-.Ltmp0, $4  }
0x1e: {  	v6 =	vshll.u32 v6, $0x1  }
0x1f: {  	s6 =	sand.u32 $0xE00, s6;
	v6 =	vor.u32 v3, v6  }
0x20: {  	s21 =	sand.u32 $0x70, s19;
	s6 =	sshrl.u32 s6, $0x2;
	v6 =	vand.u32 $0x7FFFFFF0, v6  }
0x21: {  	s19 =	sadd.s32 $0x10, s19;
	s6 =	sor.u32 s21, s6;
	v6 =	vor.u32 v6, v0  }
0x22: {  	[tilespmem:s6+$0x14000] =	vst v6;
	s0 =	simm.s32 $0x0;
	s19 =	rddreg [dreg:$0x6];
	s8 =	simm.s32 $0x14800  }
0x23: {  	[tilespmem:s8], [sflag:$0x9] =	stream.linear.gather [hbm4b:s19+s0], $0x400, $0x38;
	[tilespmem:$0x1E000] =	vst v63  }
0x24: {  	_ =	swait.ge [sflag:s14], $0x400  }
0x25: {  	[sflag:s14] =	ssyncset.done $0x0  }
0x26: {  	s23 =	simm.s32 $0x14C00;
	s21 =	rddreg [dreg:$0x7];
	[sflag:s14] =	ssyncadd.s32 $0xFFFFFC00  }
0x27: {  	[tilespmem:s23], [sflag:$0x9] =	stream.linear.gather [hbm4b:s21+s0], $0x400, $0x38;
	[tilespmem:$0x1E000] =	vst v63  }
0x28: {  	_ =	swait.ge [sflag:s14], $0x400  }
0x29: {  	[sflag:s14] =	ssyncset.done $0x0  }
0x2a: {  	s0 =	simm.s32 $0x40;
	[sflag:s14] =	ssyncadd.s32 $0xFFFFFC00  }
0x2b: {  	[tilespmem:s0+$0x20] =	vst v4  }
0x2c: {  	[tilespmem:s0+$0x10] =	vst v4  }
0x2d: {  	[tilespmem:s0+$0x0] =	vst v4  }
0x2e: {  	[tilespmem:s0+$0xFFFFFFF0] =	vst v4  }
0x2f: {  	[tilespmem:s0+$0xFFFFFFE0] =	vst v4  }
0x30: {  	[tilespmem:s0+$0xFFFFFFD0] =	vst v4  }
0x31: {  	[tilespmem:s0+$0xFFFFFFC0] =	vst v4  }
0x32: {  	s6 =	simm.s32 $0x0;
	s19 =	simm.s32 $0x40;
	[tilespmem:s0+$0x30] =	vst v4  }
.LBB2_4:
0x33: {  	p0 =	sne.s32 s19, $0x1FC0;
	[tilespmem:s6+$0x15800] =	vst v4  }
0x34: {  	s0 =	sadd.s32 $0x80, s0;
	[tilespmem:s6+$0x15000] =	vst v4  }
0x35: {  	[tilespmem:s0+$0x20] =	vst v4  }
0x36: {  	[tilespmem:s0+$0x10] =	vst v4  }
0x37: {  	[tilespmem:s0+$0x0] =	vst v4  }
.Ltmp1:
0x38: {  	[tilespmem:s0+$0xFFFFFFF0] =	vst v4;
	(pc) =	sbr.rel @p0 .LBB2_4-.Ltmp1, $4  }
0x39: {  	[tilespmem:s0+$0xFFFFFFE0] =	vst v4  }
0x3a: {  	[tilespmem:s0+$0xFFFFFFD0] =	vst v4  }
0x3b: {  	[tilespmem:s0+$0xFFFFFFC0] =	vst v4  }
0x3c: {  	s6 =	sshra.s32 s19, $0x2;
	s19 =	sadd.s32 $0x40, s19;
	[tilespmem:s0+$0x30] =	vst v4  }
0x3d: {  	[tilespmem:s6+$0x15800] =	vst v4  }
0x3e: {  	[tilespmem:s6+$0x15000] =	vst v4;
	s0 =	simm.s32 $0x14000  }
0x3f: {  	[tilespmem:s18], [sflag:$0x1] =	stream.indirect.gather [hbm4b:s1+s16], $0x80, s0, s16, $0xb8;
	[tilespmem:$0x1E000] =	vst v63  }
0x40: {  	s21 =	simm.s32 $0x14080  }
0x41: {  	[tilespmem:s20], [sflag:$0x2] =	stream.indirect.gather [hbm4b:s1+s16], $0x80, s21, s16, $0xb8;
	[tilespmem:$0x1E000] =	vst v63  }
0x42: {  	s23 =	simm.s32 $0x14100  }
0x43: {  	[tilespmem:s22], [sflag:$0x3] =	stream.indirect.gather [hbm4b:s1+s16], $0x80, s23, s16, $0xb8;
	[tilespmem:$0x1E000] =	vst v63  }
0x44: {  	s6 =	simm.s32 $0x14180  }
0x45: {  	[tilespmem:s24], [sflag:$0x4] =	stream.indirect.gather [hbm4b:s1+s16], $0x80, s6, s16, $0xb8;
	[tilespmem:$0x1E000] =	vst v63  }
0x46: {  	s19 =	simm.s32 $0x0  }
0x47: {  	[spmem:s7] =	stream.linear.scatter [tilespmem:s19], [sflag:$0x9], $0x4000, $0x38;
	[tilespmem:$0x1E000] =	vst v63  }
0x48: {  	_ =	swait.ge [sflag:s14], $0x4000  }
0x49: {  	[sflag:s14] =	ssyncset.done $0x0  }
0x4a: {  	[sflag:s14] =	ssyncadd.s32 $0xFFFFC000  }
0x4b: {  	[spmem:s9] =	stream.linear.scatter [tilespmem:s19], [sflag:$0x9], $0x4000, $0x38;
	[tilespmem:$0x1E000] =	vst v63  }
0x4c: {  	_ =	swait.ge [sflag:s14], $0x4000  }
0x4d: {  	[sflag:s14] =	ssyncset.done $0x0  }
0x4e: {  	s8 =	simm.s32 $0x0;
	[sflag:s14] =	ssyncadd.s32 $0xFFFFC000  }
0x4f: {  	v6 =	vld [tilespmem:s8+$0x14C00]  }
0x50: {  	v7 =	vld [tilespmem:s8+$0x14800];
	_ =	sdelay $0x2  }
0x51: {  	s21 =	sand.u32 $0xE00, s19  }
0x52: {  	s21 =	sshrl.u32 s21, $0x2;
	s23 =	sand.u32 $0x70, s19;
	v6 =	vshll.u32 v6, $0xA  }
0x53: {  	s0 =	simm.s32 $0x40;
	s23 =	sor.u32 s23, s21;
	v6 =	vadd.s32 v7, v6  }
0x54: {  	s21 =	simm.s32 $0x80;
	s6 =	simm.s32 $0x10;
	[tilespmem:s23+$0x14400] =	vst v6;
	s23 =	simm.s32 $0x40  }
.LBB2_6:
0x55: {  	p0 =	sne.s32 s21, $0xFC0;
	v6 =	vld [tilespmem:s6+$0x14C00]  }
0x56: {  	v7 =	vld [tilespmem:s6+$0x14800];
	_ =	sdelay $0x1  }
.Ltmp2:
0x57: {  	(pc) =	sbr.rel @p0 .LBB2_6-.Ltmp2, $4  }
0x58: {  	s19 =	sadd.s32 $0x10, s19;
	s6 =	sand.u32 $0xE00, s23;
	s23 =	smov.u32 s21  }
0x59: {  	s8 =	sand.u32 $0x70, s19;
	s6 =	sshrl.u32 s6, $0x2;
	v6 =	vshll.u32 v6, $0xA  }
0x5a: {  	s8 =	sor.u32 s8, s6;
	v6 =	vadd.s32 v7, v6  }
0x5b: {  	s21 =	sadd.s32 $0x40, s21;
	s6 =	sshra.s32 s23, $0x2;
	[tilespmem:s8+$0x14400] =	vst v6  }
0x5c: {  	v6 =	vld [tilespmem:s6+$0x14C00]  }
0x5d: {  	v7 =	vld [tilespmem:s6+$0x14800];
	_ =	sdelay $0x2  }
0x5e: {  	s23 =	sand.u32 $0xE00, s23;
	s8 =	sadd.s32 $0x10, s19  }
0x5f: {  	s8 =	sand.u32 $0x70, s8;
	s6 =	sshrl.u32 s23, $0x2;
	v6 =	vshll.u32 v6, $0xA  }
0x60: {  	s6 =	sor.u32 s8, s6;
	v6 =	vadd.s32 v7, v6  }
0x61: {  	[tilespmem:s6+$0x14400] =	vst v6;
	s6 =	simm.s32 $0x0  }
.LBB2_8:
0x62: {  	p0 =	sne.s32 s0, $0x7C0;
	v6 =	vld.idx.msk [tilespmem:v1+s6+$0x0 ss:$0x1], $0xffff  }
0x63: {  	v7 =	vld.idx.msk [tilespmem:v2+s6+$0x0 ss:$0x1], $0xffff;
	_ =	sdelay $0x4  }
0x64: {  	v6 =	vshll.u32 v6, $0xA  }
0x65: {  	v6 =	vadd.s32 v7, v6  }
.Ltmp3:
0x66: {  	(pc) =	sbr.rel @p0 .LBB2_8-.Ltmp3, $2  }
0x67: {  	_ =	sdelay $0x2  }
0x68: {  	s6 =	sshra.s32 s0, $0x2;
	s0 =	sadd.s32 $0x40, s0;
	[tilespmem:v6+s25+$0x0] =	vst.idx.add.f32.msk $0xffff, v5  }
0x69: {  	_ =	sdelay $0x3  }
0x6a: {  	v6 =	vld.idx.msk [tilespmem:v1+s6+$0x0 ss:$0x1], $0xffff  }
0x6b: {  	v7 =	vld.idx.msk [tilespmem:v2+s6+$0x0 ss:$0x1], $0xffff;
	_ =	sdelay $0x3  }
0x6c: {  	v6 =	vshll.u32 v6, $0xA  }
0x6d: {  	v6 =	vadd.s32 v7, v6;
	_ =	sdelay $0x4  }
0x6e: {  	[tilespmem:v6+s25+$0x0] =	vst.idx.add.f32.msk $0xffff, v5  }
0x6f: {  	[bflag:$0x0] =	sbarrier.arrive $0xFFFF  }
0x70: {  	_ =	swait.ge [sflag:s26], $0x4000  }
0x71: {  	[sflag:s26] =	ssyncset.done $0x0  }
0x72: {  	s0 =	simm.s32 $0x14400;
	[sflag:s26] =	ssyncadd.s32 $0xFFFFC000  }
0x73: {  	[spmem:s3] =	stream.indirect.scatter.add.f32 [tilespmem:s18], [sflag:$0x5], $0x80, s0, s16, $0xb8;
	[tilespmem:$0x1E000] =	vst v63  }
0x74: {  	_ =	swait.ge [sflag:s29], $0x4000  }
0x75: {  	[sflag:s29] =	ssyncset.done $0x0  }
0x76: {  	s19 =	simm.s32 $0x14480;
	[sflag:s29] =	ssyncadd.s32 $0xFFFFC000  }
0x77: {  	[spmem:s3] =	stream.indirect.scatter.add.f32 [tilespmem:s20], [sflag:$0x6], $0x80, s19, s16, $0xb8;
	[tilespmem:$0x1E000] =	vst v63  }
0x78: {  	_ =	swait.ge [sflag:s31], $0x4000  }
0x79: {  	[sflag:s31] =	ssyncset.done $0x0  }
0x7a: {  	s21 =	simm.s32 $0x14500;
	[sflag:s31] =	ssyncadd.s32 $0xFFFFC000  }
0x7b: {  	[spmem:s3] =	stream.indirect.scatter.add.f32 [tilespmem:s22], [sflag:$0x7], $0x80, s21, s16, $0xb8;
	[tilespmem:$0x1E000] =	vst v63  }
0x7c: {  	_ =	swait.ge [sflag:s13], $0x4000  }
0x7d: {  	[sflag:s13] =	ssyncset.done $0x0  }
0x7e: {  	s23 =	simm.s32 $0x14200;
	[sflag:s13] =	ssyncadd.s32 $0xFFFFC000  }
0x7f: {  	[tilespmem:s18], [sflag:$0x1] =	stream.indirect.gather [hbm4b:s1+s16], $0x80, s23, s16, $0xb8;
	[tilespmem:$0x1E000] =	vst v63  }
0x80: {  	_ =	swait.ge [sflag:s17], $0x4000  }
0x81: {  	[sflag:s17] =	ssyncset.done $0x0  }
0x82: {  	s6 =	simm.s32 $0x14580;
	[sflag:s17] =	ssyncadd.s32 $0xFFFFC000  }
0x83: {  	[spmem:s3] =	stream.indirect.scatter.add.f32 [tilespmem:s24], [sflag:$0x8], $0x80, s6, s16, $0xb8;
	[tilespmem:$0x1E000] =	vst v63  }
0x84: {  	_ =	swait.ge [sflag:s2], $0x4000  }
0x85: {  	[sflag:s2] =	ssyncset.done $0x0  }
0x86: {  	s8 =	simm.s32 $0x14280;
	[sflag:s2] =	ssyncadd.s32 $0xFFFFC000  }
0x87: {  	[tilespmem:s20], [sflag:$0x2] =	stream.indirect.gather [hbm4b:s1+s16], $0x80, s8, s16, $0xb8;
	[tilespmem:$0x1E000] =	vst v63  }
0x88: {  	_ =	swait.ge [sflag:s26], $0x4000  }
0x89: {  	[sflag:s26] =	ssyncset.done $0x0  }
0x8a: {  	s19 =	simm.s32 $0x14600;
	[sflag:s26] =	ssyncadd.s32 $0xFFFFC000  }
0x8b: {  	[spmem:s3] =	stream.indirect.scatter.add.f32 [tilespmem:s18], [sflag:$0x5], $0x80, s19, s16, $0xb8;
	[tilespmem:$0x1E000] =	vst v63  }
0x8c: {  	_ =	swait.ge [sflag:s28], $0x4000  }
0x8d: {  	[sflag:s28] =	ssyncset.done $0x0  }
0x8e: {  	s21 =	simm.s32 $0x14300;
	[sflag:s28] =	ssyncadd.s32 $0xFFFFC000  }
0x8f: {  	[tilespmem:s22], [sflag:$0x3] =	stream.indirect.gather [hbm4b:s1+s16], $0x80, s21, s16, $0xb8;
	[tilespmem:$0x1E000] =	vst v63  }
0x90: {  	_ =	swait.ge [sflag:s29], $0x4000  }
0x91: {  	[sflag:s29] =	ssyncset.done $0x0  }
0x92: {  	s23 =	simm.s32 $0x14680;
	[sflag:s29] =	ssyncadd.s32 $0xFFFFC000  }
0x93: {  	[spmem:s3] =	stream.indirect.scatter.add.f32 [tilespmem:s20], [sflag:$0x6], $0x80, s23, s16, $0xb8;
	[tilespmem:$0x1E000] =	vst v63  }
0x94: {  	_ =	swait.ge [sflag:s15], $0x4000  }
0x95: {  	[sflag:s15] =	ssyncset.done $0x0  }
0x96: {  	s6 =	simm.s32 $0x14380;
	[sflag:s15] =	ssyncadd.s32 $0xFFFFC000  }
0x97: {  	[tilespmem:s24], [sflag:$0x4] =	stream.indirect.gather [hbm4b:s1+s16], $0x80, s6, s16, $0xb8;
	[tilespmem:$0x1E000] =	vst v63  }
0x98: {  	_ =	swait.ge [sflag:s31], $0x4000  }
0x99: {  	[sflag:s31] =	ssyncset.done $0x0  }
0x9a: {  	s8 =	simm.s32 $0x14700;
	[sflag:s31] =	ssyncadd.s32 $0xFFFFC000  }
0x9b: {  	[spmem:s3] =	stream.indirect.scatter.add.f32 [tilespmem:s22], [sflag:$0x7], $0x80, s8, s16, $0xb8;
	[tilespmem:$0x1E000] =	vst v63  }
0x9c: {  	_ =	swait.ge [sflag:s17], $0x4000  }
0x9d: {  	[sflag:s17] =	ssyncset.done $0x0  }
0x9e: {  	s19 =	simm.s32 $0x14780;
	[sflag:s17] =	ssyncadd.s32 $0xFFFFC000  }
0x9f: {  	[spmem:s3] =	stream.indirect.scatter.add.f32 [tilespmem:s24], [sflag:$0x8], $0x80, s19, s16, $0xb8;
	[tilespmem:$0x1E000] =	vst v63  }
0xa0: {  	_ =	swait.ge [sflag:s2], $0x4000  }
0xa1: {  	[sflag:s2] =	ssyncset.done $0x0  }
0xa2: {  	[sflag:s2] =	ssyncadd.s32 $0xFFFFC000  }
0xa3: {  	_ =	swait.ge [sflag:s28], $0x4000  }
0xa4: {  	[sflag:s28] =	ssyncset.done $0x0  }
0xa5: {  	[sflag:s28] =	ssyncadd.s32 $0xFFFFC000  }
0xa6: {  	_ =	swait.ge [sflag:s15], $0x4000  }
0xa7: {  	s21 =	stileid.u32;
	[sflag:s15] =	ssyncset.done $0x0  }
0xa8: {  	s0 =	sshll.u32 s21, $0x6;
	[sflag:s15] =	ssyncadd.s32 $0xFFFFC000  }
0xa9: {  	s0 =	sor.u32 $0x1C09, s0;
	s23 =	sshrl.u32 s7, $0x3;
	[bflag:$0x0] =	sbarrier.arrive $0xFFFF  }
0xaa: {  	[hbm:s10], [sflag:s0] =	dma.local [spmem:s23], $0x1000  }
0xab: {  	s30 =	sadd.s32 $0x1, s30;
	_ =	swait.ge [sflag:s14], $0x1000  }
0xac: {  	p0 =	sne.s32 s30, s12;
	[sflag:s14] =	ssyncset.done $0x0  }
.Ltmp4:
0xad: {  	[sflag:s14] =	ssyncadd.s32 $0xFFFFF000;
	(pc) =	sbr.rel @p0 .LBB2_1-.Ltmp4, $4  }
0xae: {  	[hbm4b:s11+s4] =	stream.linear.scatter [tilespmem:s25], [sflag:$0x9], $0x1000, $0x38;
	[tilespmem:$0x1E000] =	vst v63  }
0xaf: {  	_ =	swait.ge [sflag:s14], $0x1000  }
0xb0: {  	[sflag:s14] =	ssyncset.done $0x0  }
0xb1: {  	[sflag:s14] =	ssyncadd.s32 $0xFFFFF000  }
0xb2: {  	_ =	sfence.sel $0x180000  }
0xb3: {  	[bflag:$0x0] =	sbarrier.arrive $0xFFFF  }
0xb4: {  	_ =	strace $0x90000047  }
0xb5: {  	s0 =	stileid.u32;
	[bflag:$0x2] =	sbarrier.arrive $0xFFFF  }
0xb6: {  	p0 =	sne.s32 s0, $0x0;
	s0 =	rddreg [dreg:$0x5]  }
0xb7: {  	s0 =	sadd.s32 @!p0 $0x100000, s0  }
0xb8: {  	[sflag:s0] =	ssyncadd.tile.s32 @!p0 $0x1;
	_ =	shalt  }
.Lfunc_end2:
_tile_overlayer_lowered:
.L_overlay_start_2:
0xb9: {  	(tag) =	ssettag $0x2  }
0xba: {  	s0 =	rddreg [dreg:$0x0];
	s2 =	stileid.u32  }
0xbb: {  	s1 =	rddreg [dreg:$0x1];
	p0 =	sne.s32 s2, $0x0  }
0xbc: {  	s3 =	rddreg [dreg:$0x2];
	[bflag:$0x3] =	sbarrier.arrive $0xFFFF;
	s2 =	simm.s32 @!p0 $0x1C09  }
0xbd: {  	[timem:s3], [sflag:s2] =	dma.local @!p0 [hbm:s0], s1  }
0xbe: {  	s0 =	simm.s32 @!p0 $0x9  }
0xbf: {  	_ =	swait.ge @!p0 [sflag:s0], s1  }
0xc0: {  	s1 =	ssub.s32 @!p0 $0x0, s1;
	[sflag:s0] =	ssyncset.done @!p0 $0x0  }
0xc1: {  	[sflag:s0] =	ssyncadd.s32 @!p0 s1  }
0xc2: {  	[bflag:$0x3] =	sbarrier.arrive $0xFFFF  }
0xc3: {  	_ =	shalt  }

</sc_bundles>
